<compile_context>
chip_gen: v7x
topology: tpu7x:2x2x1
jax: 0.10.2.dev20260603
libtpu: 0.0.44.dev20260713+nightly
codegen_flags: <defaults>
</compile_context>

<pallas_src>
import functools

import jax
import jax.numpy as jnp
import numpy as np
from jax import lax
from jax.experimental import pallas as pl
from jax.experimental.pallas import tpu as pltpu
from jax.experimental.pallas import tpu_sc as plsc

N = 150000
B = 2
C = 64
GY = GX = 512
GPSI = GR = 512
PLANE = GY * GX
NTEC = 16
NCORE = 2
ROWS = 74
PTS = ROWS * 128
NPAD = NTEC * PTS
SCRN = 1024
SCRB = 2 * PLANE
BUFW = 2 * PLANE + SCRN
SLICE = PLANE // NTEC
CH_PER_CORE = C // NCORE


def _idx_body(b_ref, y_ref, x_ref, src_ref, dst_ref, scr_ref, pid_ref):
    f = jnp.float32
    bi = b_ref[...]
    yi = y_ref[...]
    xi = x_ref[...]
    y = yi.astype(jnp.float32) * f(0.2) + f(-51.2)
    x = xi.astype(jnp.float32) * f(0.2) + f(-51.2)
    r = jnp.sqrt(x * x + y * y)
    xs = jnp.where(x == 0.0, f(1.0), x)
    at = jnp.arctan2(y / xs, jnp.ones_like(x))
    pi = f(np.pi)
    psi = jnp.where(
        x > 0, at,
        jnp.where((x == 0) & (y >= 0), f(np.pi / 2.0),
        jnp.where((x == 0) & (y < 0), f(-np.pi / 2.0),
        jnp.where(y >= 0, at + pi, at - pi))))
    rb = (r - f(0.0)) / f(0.142)
    pb = (psi - f(-np.pi)) / f(0.0123)
    ri = jnp.clip(rb.astype(jnp.int32), 0, GR - 1)
    pii = jnp.clip(pb.astype(jnp.int32), 0, GPSI - 1)
    r0 = lax.broadcasted_iota(jnp.int32, bi.shape, 0)
    c0 = lax.broadcasted_iota(jnp.int32, bi.shape, 1)
    flat = r0 * 128 + c0
    pad = SCRB + jnp.bitwise_and(flat, SCRN - 1)
    valid = bi < B
    src_ref[...] = jnp.where(valid, bi * PLANE + pii * GR + ri, pad)
    dst_ref[...] = jnp.where(valid, bi * PLANE + yi * GX + xi, pad)
    scr_ref[...] = pad
    pid_ref[...] = lax.bitcast_convert_type(flat, jnp.float32)


def _point_indices(voxel_coords):
    vc = jnp.pad(voxel_coords, ((0, NPAD - N), (0, 0)), constant_values=B)
    rows = NPAD // 128
    b2 = vc[:, 0].reshape(rows, 128)
    y2 = vc[:, 2].reshape(rows, 128)
    x2 = vc[:, 3].reshape(rows, 128)
    src, dst, scr, pid = pl.pallas_call(
        _idx_body,
        out_shape=[jax.ShapeDtypeStruct((rows, 128), jnp.int32)] * 3
        + [jax.ShapeDtypeStruct((rows, 128), jnp.float32)],
    )(b2, y2, x2)
    return (src.reshape(NTEC, ROWS, 128), dst.reshape(NTEC, ROWS, 128),
            scr.reshape(NTEC, ROWS, 128), pid.reshape(NTEC, ROWS, 128))


def _sc_body(sp_hbm, pv_hbm, srci_hbm, dsti_hbm, scri_hbm, pid_hbm, out_hbm,
             srci_v, dsti_v, scri_v, pid_v, dstf_v, pvv,
             sp_buf, pv_buf, sem_st, sem_g, sem_o):
    cid = lax.axis_index("c")
    sid = lax.axis_index("s")
    pltpu.sync_copy(srci_hbm.at[sid], srci_v)
    pltpu.sync_copy(dsti_hbm.at[sid], dsti_v)
    pltpu.sync_copy(scri_hbm.at[sid], scri_v)
    pltpu.sync_copy(pid_hbm.at[sid], pid_v)

    def id_scat(j, c):
        pltpu.async_copy(pid_v.at[j], pv_buf.at[dsti_v.at[j]], sem_g)
        return c
    lax.fori_loop(0, ROWS, id_scat, None)

    def id_scat_drain(j, c):
        pltpu.make_async_copy(pid_v.at[j], pv_buf.at[dsti_v.at[j]],
                              sem_g).wait()
        return c
    lax.fori_loop(0, ROWS, id_scat_drain, None)
    plsc.subcore_barrier()

    def id_gath(j, c):
        pltpu.async_copy(pv_buf.at[dsti_v.at[j]], pvv.at[j], sem_g)
        return c
    lax.fori_loop(0, ROWS, id_gath, None)

    def id_gath_drain(j, c):
        pltpu.make_async_copy(pv_buf.at[dsti_v.at[j]], pvv.at[j],
                              sem_g).wait()
        return c
    lax.fori_loop(0, ROWS, id_gath_drain, None)

    def sel(k, c):
        j = k // 8
        o = (k % 8) * 16
        s = pl.ds(o, 16)
        gi = lax.bitcast_convert_type(pvv[j, s], jnp.int32)
        pi = lax.bitcast_convert_type(pid_v[j, s], jnp.int32)
        dstf_v[j, s] = jnp.where(gi == pi, dsti_v[j, s], scri_v[j, s])
        return c
    lax.fori_loop(0, ROWS * 8, sel, None)
    plsc.subcore_barrier()

    off = sid * SLICE

    def fire_sp(ci):
        ch = cid * CH_PER_CORE + ci
        for b in range(B):
            pltpu.async_copy(
                sp_hbm.at[b * C + ch, pl.ds(off, SLICE)],
                sp_buf.at[pl.ds(b * PLANE + off, SLICE)], sem_st)

    def fire_pv(ci):
        ch = cid * CH_PER_CORE + ci
        for b in range(B):
            pltpu.async_copy(
                pv_hbm.at[b * C + ch, pl.ds(off, SLICE)],
                pv_buf.at[pl.ds(b * PLANE + off, SLICE)], sem_st)

    def wait_stage(ci):
        ch = cid * CH_PER_CORE + ci
        for b in range(B):
            pltpu.make_async_copy(
                sp_hbm.at[b * C + ch, pl.ds(off, SLICE)],
                sp_buf.at[pl.ds(b * PLANE + off, SLICE)], sem_st).wait()
            pltpu.make_async_copy(
                pv_hbm.at[b * C + ch, pl.ds(off, SLICE)],
                pv_buf.at[pl.ds(b * PLANE + off, SLICE)], sem_st).wait()

    fire_sp(0)
    fire_pv(0)

    def channel(ci, carry):
        wait_stage(ci)
        plsc.subcore_barrier()

        def gath_fire(j, c):
            pltpu.async_copy(pv_buf.at[srci_v.at[j]], pvv.at[j], sem_g)
            return c
        lax.fori_loop(0, ROWS, gath_fire, None)

        def gath_drain(j, c):
            pltpu.make_async_copy(pv_buf.at[srci_v.at[j]], pvv.at[j],
                                  sem_g).wait()
            return c
        lax.fori_loop(0, ROWS, gath_drain, None)

        def scat_fire(j, c):
            pltpu.async_copy(pvv.at[j], sp_buf.at[dstf_v.at[j]], sem_g,
                             add=True)
            return c
        lax.fori_loop(0, ROWS, scat_fire, None)

        def scat_drain(j, c):
            pltpu.make_async_copy(pvv.at[j], sp_buf.at[dstf_v.at[j]],
                                  sem_g).wait()
            return c
        lax.fori_loop(0, ROWS, scat_drain, None)
        plsc.subcore_barrier()

        nxt = jnp.minimum(ci + 1, CH_PER_CORE - 1)
        fire_pv(nxt)

        ch = cid * CH_PER_CORE + ci
        hs = []
        for b in range(B):
            row = b * C + ch
            hs.append(pltpu.async_copy(
                sp_buf.at[pl.ds(b * PLANE + off, SLICE)],
                out_hbm.at[row, pl.ds(off, SLICE)], sem_o))
        for h in hs:
            h.wait()
        fire_sp(nxt)
        return carry

    lax.fori_loop(0, CH_PER_CORE, channel, None)
    wait_stage(CH_PER_CORE - 1)


_sc_scatter = functools.partial(
    pl.kernel,
    out_type=jax.ShapeDtypeStruct((B * C, PLANE), jnp.float32),
    mesh=plsc.VectorSubcoreMesh(core_axis_name="c", subcore_axis_name="s"),
    scratch_types=[
        pltpu.VMEM((ROWS, 128), jnp.int32),
        pltpu.VMEM((ROWS, 128), jnp.int32),
        pltpu.VMEM((ROWS, 128), jnp.int32),
        pltpu.VMEM((ROWS, 128), jnp.float32),
        pltpu.VMEM((ROWS, 128), jnp.int32),
        pltpu.VMEM((ROWS, 128), jnp.float32),
        pltpu.VMEM_SHARED((BUFW,), jnp.float32),
        pltpu.VMEM_SHARED((BUFW,), jnp.float32),
        pltpu.SemaphoreType.DMA,
        pltpu.SemaphoreType.DMA,
        pltpu.SemaphoreType.DMA,
    ],
)(_sc_body)


def kernel(voxel_coords, spatial_features, pview_spatial_features_0):
    src, dst, scr, pid = _point_indices(voxel_coords)
    sp2 = spatial_features.reshape(B * C, PLANE)
    pv2 = pview_spatial_features_0.reshape(B * C, PLANE)
    out2 = _sc_scatter(sp2, pv2, src, dst, scr, pid)
    return out2.reshape(B, C, GY, GX)

# --- scband reference (transcript-rebuilt; emitter-appended) ---
"""Pipeline reference for scband-point-pillar-multi-views-projector-44547400794345 (READ-ONLY COPY).

The authoritative reference and input builder live on the scoring server;
editing this copy changes nothing except your own understanding.
"""

import jax, jax.numpy as jnp
import numpy as np

VOXEL_SIZE = (0.2, 0.2)
PC_RANGE = (-51.2, -51.2)
PVIEW_CENTER = (0.0, 0.0)
PVIEW_RANGE = (0.0, -np.pi)
PVIEW_VSIZE = (0.142, 0.0123)
N = 150000
B = 2
C = 64
GY = GX = 512
GPSI = GR = 512


def setup_inputs(seed: int = 0) -> dict:
    key = jax.random.key(seed)
    k1, k2, k3, k4, k5, k6 = jax.random.split(key, 6)
    bcol = jax.random.randint(k1, (N, 1), 0, B)
    zcol = jax.random.randint(k2, (N, 1), 0, 1)
    ycol = jax.random.randint(k3, (N, 1), 0, GY)
    xcol = jax.random.randint(k4, (N, 1), 0, GX)
    voxel_coords = jnp.concatenate([bcol, zcol, ycol, xcol], axis=1).astype(jnp.int32)
    spatial_features = jax.random.normal(k5, (B, C, GY, GX), dtype=jnp.float32)
    pview_spatial_features_0 = jax.random.normal(k6, (B, C, GPSI, GR), dtype=jnp.float32)
    return {
        "voxel_coords": voxel_coords,
        "spatial_features": spatial_features,
        "pview_spatial_features_0": pview_spatial_features_0,
    }


def _xy_to_rp(x, y):
    r = jnp.sqrt(x ** 2 + y ** 2)
    xs = jnp.where(x == 0, 1.0, x)
    at = jnp.arctan(y / xs)
    psi = jnp.where(
        x > 0, at,
        jnp.where((x == 0) & (y >= 0), np.pi / 2.0,
        jnp.where((x == 0) & (y < 0), -np.pi / 2.0,
        jnp.where(y >= 0, at + np.pi, at - np.pi))))
    return r, psi


def reference(voxel_coords, spatial_features, pview_spatial_features_0):
    coords = voxel_coords
    y_ = coords[:, 2]
    x_ = coords[:, 3]
    y = y_.astype(jnp.float32) * VOXEL_SIZE[1] + PC_RANGE[1] - PVIEW_CENTER[1]
    x = x_.astype(jnp.float32) * VOXEL_SIZE[0] + PC_RANGE[0] - PVIEW_CENTER[0]
    r, psi = _xy_to_rp(x, y)
    r = (r - PVIEW_RANGE[0]) / PVIEW_VSIZE[0]
    psi = (psi - PVIEW_RANGE[1]) / PVIEW_VSIZE[1]
    b = coords[:, 0]
    r_i = r.astype(jnp.int32)
    psi_i = psi.astype(jnp.int32)
    # gather per-pillar cylindrical-view features: [N, C]
    features_pview = pview_spatial_features_0[b, :, psi_i, r_i]
    # fuse 'add': read-modify-write into cartesian BEV grid (scatter-overwrite of gathered+delta)
    gathered = spatial_features[b, :, y_, x_]
    out = spatial_features.at[b, :, y_, x_].set(gathered + features_pview)
    return out

if __name__ == "__main__":
    import jax
    _d = setup_inputs()
    print(jax.jit(kernel)(*tuple(_d.values())))

</pallas_src>

<mosaic_0001>
#map = affine_map<(d0, d1) -> (0, 0)>
#map1 = affine_map<(d0, d1) -> (0, 0, 0)>
module attributes {stable_mosaic.version = 14 : i64} {
  func.func @_sc_body(%arg0: i32, %arg1: i32, %arg2: memref<128x262144xf32, #tpu.memory_space<hbm>>, %arg3: memref<128x262144xf32, #tpu.memory_space<hbm>>, %arg4: memref<16x74x128xi32, #tpu.memory_space<hbm>>, %arg5: memref<16x74x128xi32, #tpu.memory_space<hbm>>, %arg6: memref<16x74x128xi32, #tpu.memory_space<hbm>>, %arg7: memref<16x74x128xf32, #tpu.memory_space<hbm>>, %arg8: memref<128x262144xf32, #tpu.memory_space<hbm>>, %arg9: memref<74x128xi32, #tpu.memory_space<vmem>>, %arg10: memref<74x128xi32, #tpu.memory_space<vmem>>, %arg11: memref<74x128xi32, #tpu.memory_space<vmem>>, %arg12: memref<74x128xf32, #tpu.memory_space<vmem>>, %arg13: memref<74x128xi32, #tpu.memory_space<vmem>>, %arg14: memref<74x128xf32, #tpu.memory_space<vmem>>, %arg15: memref<525312xf32, #tpu.memory_space<vmem_shared>>, %arg16: memref<525312xf32, #tpu.memory_space<vmem_shared>>, %arg17: memref<!tpu.dma_semaphore, #tpu.memory_space<semaphore_mem>>, %arg18: memref<!tpu.dma_semaphore, #tpu.memory_space<semaphore_mem>>, %arg19: memref<!tpu.dma_semaphore, #tpu.memory_space<semaphore_mem>>) attributes {dimension_semantics = [#tpu.dimension_semantics<core_parallel>, #tpu.dimension_semantics<subcore_parallel>], iteration_bounds = array<i64: 2, 16>, scalar_prefetch = 0 : i64, scratch_operands = 11 : i64, tpu.core_type = #tpu.core_type<sc_vector_subcore>, window_params = [{transform_indices = #map}, {transform_indices = #map}, {transform_indices = #map1}, {transform_indices = #map1}, {transform_indices = #map1}, {transform_indices = #map1}, {transform_indices = #map}]} {
    "tpu.region"() ({
      %run_scoped3A = tpu.sem_alloc : memref<!tpu.dma_semaphore, #tpu.memory_space<semaphore_mem>>
      %dma_start3A_96 = arith.constant 0 : i32
      %dma_start3A_97 = arith.constant 0 : i32
      %dma_start3A_98 = tpu.memref_slice %arg4[%arg1, %dma_start3A_96, %dma_start3A_97] : memref<16x74x128xi32, #tpu.memory_space<hbm>> -> memref<1x74x128xi32, #tpu.memory_space<hbm>>
      %dma_start3A_99 = tpu.memref_squeeze %dma_start3A_98 : memref<1x74x128xi32, #tpu.memory_space<hbm>> -> memref<74x128xi32, #tpu.memory_space<hbm>>
      %dma_start3A_100 = arith.constant 0 : i32
      %dma_start3A_101 = arith.constant 0 : i32
      %dma_start3A_102 = tpu.memref_slice %arg4[%arg1, %dma_start3A_100, %dma_start3A_101] : memref<16x74x128xi32, #tpu.memory_space<hbm>> -> memref<1x74x128xi32, #tpu.memory_space<hbm>>
      %dma_start3A_103 = tpu.memref_squeeze %dma_start3A_102 : memref<1x74x128xi32, #tpu.memory_space<hbm>> -> memref<74x128xi32, #tpu.memory_space<hbm>>
      tpu.enqueue_dma source(%dma_start3A_103 : memref<74x128xi32, #tpu.memory_space<hbm>>) target(%arg9 : memref<74x128xi32, #tpu.memory_space<vmem>>) target_semaphore(%run_scoped3A : memref<!tpu.dma_semaphore, #tpu.memory_space<semaphore_mem>>)
      %dma_wait3A_104 = arith.constant 0 : i32
      %dma_wait3A_105 = arith.constant 0 : i32
      %dma_wait3A_106 = tpu.memref_slice %arg4[%arg1, %dma_wait3A_104, %dma_wait3A_105] : memref<16x74x128xi32, #tpu.memory_space<hbm>> -> memref<1x74x128xi32, #tpu.memory_space<hbm>>
      %dma_wait3A_107 = tpu.memref_squeeze %dma_wait3A_106 : memref<1x74x128xi32, #tpu.memory_space<hbm>> -> memref<74x128xi32, #tpu.memory_space<hbm>>
      %dma_wait3A_108 = arith.constant 0 : i32
      %dma_wait3A_109 = arith.constant 0 : i32
      %dma_wait3A_110 = tpu.memref_slice %arg4[%arg1, %dma_wait3A_108, %dma_wait3A_109] : memref<16x74x128xi32, #tpu.memory_space<hbm>> -> memref<1x74x128xi32, #tpu.memory_space<hbm>>
      %dma_wait3A_111 = tpu.memref_squeeze %dma_wait3A_110 : memref<1x74x128xi32, #tpu.memory_space<hbm>> -> memref<74x128xi32, #tpu.memory_space<hbm>>
      tpu.wait_dma2 semaphore(%run_scoped3A : memref<!tpu.dma_semaphore, #tpu.memory_space<semaphore_mem>>) src(%dma_wait3A_111 : memref<74x128xi32, #tpu.memory_space<hbm>>) dst(%arg9 : memref<74x128xi32, #tpu.memory_space<vmem>>)
      tpu.yield
    }) : () -> ()
    "tpu.region"() ({
      %run_scoped3A = tpu.sem_alloc : memref<!tpu.dma_semaphore, #tpu.memory_space<semaphore_mem>>
      %dma_start3A_96 = arith.constant 0 : i32
      %dma_start3A_97 = arith.constant 0 : i32
      %dma_start3A_98 = tpu.memref_slice %arg5[%arg1, %dma_start3A_96, %dma_start3A_97] : memref<16x74x128xi32, #tpu.memory_space<hbm>> -> memref<1x74x128xi32, #tpu.memory_space<hbm>>
      %dma_start3A_99 = tpu.memref_squeeze %dma_start3A_98 : memref<1x74x128xi32, #tpu.memory_space<hbm>> -> memref<74x128xi32, #tpu.memory_space<hbm>>
      %dma_start3A_100 = arith.constant 0 : i32
      %dma_start3A_101 = arith.constant 0 : i32
      %dma_start3A_102 = tpu.memref_slice %arg5[%arg1, %dma_start3A_100, %dma_start3A_101] : memref<16x74x128xi32, #tpu.memory_space<hbm>> -> memref<1x74x128xi32, #tpu.memory_space<hbm>>
      %dma_start3A_103 = tpu.memref_squeeze %dma_start3A_102 : memref<1x74x128xi32, #tpu.memory_space<hbm>> -> memref<74x128xi32, #tpu.memory_space<hbm>>
      tpu.enqueue_dma source(%dma_start3A_103 : memref<74x128xi32, #tpu.memory_space<hbm>>) target(%arg10 : memref<74x128xi32, #tpu.memory_space<vmem>>) target_semaphore(%run_scoped3A : memref<!tpu.dma_semaphore, #tpu.memory_space<semaphore_mem>>)
      %dma_wait3A_104 = arith.constant 0 : i32
      %dma_wait3A_105 = arith.constant 0 : i32
      %dma_wait3A_106 = tpu.memref_slice %arg5[%arg1, %dma_wait3A_104, %dma_wait3A_105] : memref<16x74x128xi32, #tpu.memory_space<hbm>> -> memref<1x74x128xi32, #tpu.memory_space<hbm>>
      %dma_wait3A_107 = tpu.memref_squeeze %dma_wait3A_106 : memref<1x74x128xi32, #tpu.memory_space<hbm>> -> memref<74x128xi32, #tpu.memory_space<hbm>>
      %dma_wait3A_108 = arith.constant 0 : i32
      %dma_wait3A_109 = arith.constant 0 : i32
      %dma_wait3A_110 = tpu.memref_slice %arg5[%arg1, %dma_wait3A_108, %dma_wait3A_109] : memref<16x74x128xi32, #tpu.memory_space<hbm>> -> memref<1x74x128xi32, #tpu.memory_space<hbm>>
      %dma_wait3A_111 = tpu.memref_squeeze %dma_wait3A_110 : memref<1x74x128xi32, #tpu.memory_space<hbm>> -> memref<74x128xi32, #tpu.memory_space<hbm>>
      tpu.wait_dma2 semaphore(%run_scoped3A : memref<!tpu.dma_semaphore, #tpu.memory_space<semaphore_mem>>) src(%dma_wait3A_111 : memref<74x128xi32, #tpu.memory_space<hbm>>) dst(%arg10 : memref<74x128xi32, #tpu.memory_space<vmem>>)
      tpu.yield
    }) : () -> ()
    "tpu.region"() ({
      %run_scoped3A = tpu.sem_alloc : memref<!tpu.dma_semaphore, #tpu.memory_space<semaphore_mem>>
      %dma_start3A_96 = arith.constant 0 : i32
      %dma_start3A_97 = arith.constant 0 : i32
      %dma_start3A_98 = tpu.memref_slice %arg6[%arg1, %dma_start3A_96, %dma_start3A_97] : memref<16x74x128xi32, #tpu.memory_space<hbm>> -> memref<1x74x128xi32, #tpu.memory_space<hbm>>
      %dma_start3A_99 = tpu.memref_squeeze %dma_start3A_98 : memref<1x74x128xi32, #tpu.memory_space<hbm>> -> memref<74x128xi32, #tpu.memory_space<hbm>>
      %dma_start3A_100 = arith.constant 0 : i32
      %dma_start3A_101 = arith.constant 0 : i32
      %dma_start3A_102 = tpu.memref_slice %arg6[%arg1, %dma_start3A_100, %dma_start3A_101] : memref<16x74x128xi32, #tpu.memory_space<hbm>> -> memref<1x74x128xi32, #tpu.memory_space<hbm>>
      %dma_start3A_103 = tpu.memref_squeeze %dma_start3A_102 : memref<1x74x128xi32, #tpu.memory_space<hbm>> -> memref<74x128xi32, #tpu.memory_space<hbm>>
      tpu.enqueue_dma source(%dma_start3A_103 : memref<74x128xi32, #tpu.memory_space<hbm>>) target(%arg11 : memref<74x128xi32, #tpu.memory_space<vmem>>) target_semaphore(%run_scoped3A : memref<!tpu.dma_semaphore, #tpu.memory_space<semaphore_mem>>)
      %dma_wait3A_104 = arith.constant 0 : i32
      %dma_wait3A_105 = arith.constant 0 : i32
      %dma_wait3A_106 = tpu.memref_slice %arg6[%arg1, %dma_wait3A_104, %dma_wait3A_105] : memref<16x74x128xi32, #tpu.memory_space<hbm>> -> memref<1x74x128xi32, #tpu.memory_space<hbm>>
      %dma_wait3A_107 = tpu.memref_squeeze %dma_wait3A_106 : memref<1x74x128xi32, #tpu.memory_space<hbm>> -> memref<74x128xi32, #tpu.memory_space<hbm>>
      %dma_wait3A_108 = arith.constant 0 : i32
      %dma_wait3A_109 = arith.constant 0 : i32
      %dma_wait3A_110 = tpu.memref_slice %arg6[%arg1, %dma_wait3A_108, %dma_wait3A_109] : memref<16x74x128xi32, #tpu.memory_space<hbm>> -> memref<1x74x128xi32, #tpu.memory_space<hbm>>
      %dma_wait3A_111 = tpu.memref_squeeze %dma_wait3A_110 : memref<1x74x128xi32, #tpu.memory_space<hbm>> -> memref<74x128xi32, #tpu.memory_space<hbm>>
      tpu.wait_dma2 semaphore(%run_scoped3A : memref<!tpu.dma_semaphore, #tpu.memory_space<semaphore_mem>>) src(%dma_wait3A_111 : memref<74x128xi32, #tpu.memory_space<hbm>>) dst(%arg11 : memref<74x128xi32, #tpu.memory_space<vmem>>)
      tpu.yield
    }) : () -> ()
    "tpu.region"() ({
      %run_scoped3A = tpu.sem_alloc : memref<!tpu.dma_semaphore, #tpu.memory_space<semaphore_mem>>
      %dma_start3A_96 = arith.constant 0 : i32
      %dma_start3A_97 = arith.constant 0 : i32
      %dma_start3A_98 = tpu.memref_slice %arg7[%arg1, %dma_start3A_96, %dma_start3A_97] : memref<16x74x128xf32, #tpu.memory_space<hbm>> -> memref<1x74x128xf32, #tpu.memory_space<hbm>>
      %dma_start3A_99 = tpu.memref_squeeze %dma_start3A_98 : memref<1x74x128xf32, #tpu.memory_space<hbm>> -> memref<74x128xf32, #tpu.memory_space<hbm>>
      %dma_start3A_100 = arith.constant 0 : i32
      %dma_start3A_101 = arith.constant 0 : i32
      %dma_start3A_102 = tpu.memref_slice %arg7[%arg1, %dma_start3A_100, %dma_start3A_101] : memref<16x74x128xf32, #tpu.memory_space<hbm>> -> memref<1x74x128xf32, #tpu.memory_space<hbm>>
      %dma_start3A_103 = tpu.memref_squeeze %dma_start3A_102 : memref<1x74x128xf32, #tpu.memory_space<hbm>> -> memref<74x128xf32, #tpu.memory_space<hbm>>
      tpu.enqueue_dma source(%dma_start3A_103 : memref<74x128xf32, #tpu.memory_space<hbm>>) target(%arg12 : memref<74x128xf32, #tpu.memory_space<vmem>>) target_semaphore(%run_scoped3A : memref<!tpu.dma_semaphore, #tpu.memory_space<semaphore_mem>>)
      %dma_wait3A_104 = arith.constant 0 : i32
      %dma_wait3A_105 = arith.constant 0 : i32
      %dma_wait3A_106 = tpu.memref_slice %arg7[%arg1, %dma_wait3A_104, %dma_wait3A_105] : memref<16x74x128xf32, #tpu.memory_space<hbm>> -> memref<1x74x128xf32, #tpu.memory_space<hbm>>
      %dma_wait3A_107 = tpu.memref_squeeze %dma_wait3A_106 : memref<1x74x128xf32, #tpu.memory_space<hbm>> -> memref<74x128xf32, #tpu.memory_space<hbm>>
      %dma_wait3A_108 = arith.constant 0 : i32
      %dma_wait3A_109 = arith.constant 0 : i32
      %dma_wait3A_110 = tpu.memref_slice %arg7[%arg1, %dma_wait3A_108, %dma_wait3A_109] : memref<16x74x128xf32, #tpu.memory_space<hbm>> -> memref<1x74x128xf32, #tpu.memory_space<hbm>>
      %dma_wait3A_111 = tpu.memref_squeeze %dma_wait3A_110 : memref<1x74x128xf32, #tpu.memory_space<hbm>> -> memref<74x128xf32, #tpu.memory_space<hbm>>
      tpu.wait_dma2 semaphore(%run_scoped3A : memref<!tpu.dma_semaphore, #tpu.memory_space<semaphore_mem>>) src(%dma_wait3A_111 : memref<74x128xf32, #tpu.memory_space<hbm>>) dst(%arg12 : memref<74x128xf32, #tpu.memory_space<vmem>>)
      tpu.yield
    }) : () -> ()
    %scan3A = arith.constant 0 : i32
    %scan3A_0 = arith.constant 74 : i32
    %scan3A_1 = arith.addi %scan3A, %scan3A_0 : i32
    %scan3A_2 = arith.constant 1 : i32
    scf.for %scan3A_96 = %scan3A to %scan3A_1 step %scan3A_2  : i32 {
      %dma_start3A_97 = arith.constant 0 : i32
      %dma_start3A_98 = tpu.memref_slice %arg12[%scan3A_96, %dma_start3A_97] : memref<74x128xf32, #tpu.memory_space<vmem>> -> memref<1x128xf32, #tpu.memory_space<vmem>>
      %dma_start3A_99 = tpu.memref_squeeze %dma_start3A_98 : memref<1x128xf32, #tpu.memory_space<vmem>> -> memref<128xf32, #tpu.memory_space<vmem>>
      %dma_start3A_100 = arith.constant 0 : i32
      %dma_start3A_101 = tpu.memref_slice %arg10[%scan3A_96, %dma_start3A_100] : memref<74x128xi32, #tpu.memory_space<vmem>> -> memref<1x128xi32, #tpu.memory_space<vmem>>
      %dma_start3A_102 = tpu.memref_squeeze %dma_start3A_101 : memref<1x128xi32, #tpu.memory_space<vmem>> -> memref<128xi32, #tpu.memory_space<vmem>>
      %dma_start3A_103 = arith.constant 0 : i32
      %dma_start3A_104 = tpu.memref_slice %arg16[%dma_start3A_103] : memref<525312xf32, #tpu.memory_space<vmem_shared>> -> memref<525312xf32, #tpu.memory_space<vmem_shared>>
      tpu.enqueue_indirect_dma source(%dma_start3A_99 : memref<128xf32, #tpu.memory_space<vmem>>) target(%dma_start3A_104 : memref<525312xf32, #tpu.memory_space<vmem_shared>>) offsets(%dma_start3A_102 : memref<128xi32, #tpu.memory_space<vmem>>) semaphore(%arg18 : memref<!tpu.dma_semaphore, #tpu.memory_space<semaphore_mem>>)
    }
    %scan3A_3 = arith.constant 74 : i32
    %scan3A_4 = arith.constant 0 : i32
    %scan3A_5 = arith.constant 74 : i32
    %scan3A_6 = arith.addi %scan3A_4, %scan3A_5 : i32
    %scan3A_7 = arith.constant 1 : i32
    scf.for %scan3A_96 = %scan3A_4 to %scan3A_6 step %scan3A_7  : i32 {
      %dma_wait3A_97 = arith.constant 0 : i32
      %dma_wait3A_98 = tpu.memref_slice %arg12[%scan3A_96, %dma_wait3A_97] : memref<74x128xf32, #tpu.memory_space<vmem>> -> memref<1x128xf32, #tpu.memory_space<vmem>>
      %dma_wait3A_99 = tpu.memref_squeeze %dma_wait3A_98 : memref<1x128xf32, #tpu.memory_space<vmem>> -> memref<128xf32, #tpu.memory_space<vmem>>
      %dma_wait3A_100 = arith.constant 0 : i32
      %dma_wait3A_101 = tpu.memref_slice %arg10[%scan3A_96, %dma_wait3A_100] : memref<74x128xi32, #tpu.memory_space<vmem>> -> memref<1x128xi32, #tpu.memory_space<vmem>>
      %dma_wait3A_102 = tpu.memref_squeeze %dma_wait3A_101 : memref<1x128xi32, #tpu.memory_space<vmem>> -> memref<128xi32, #tpu.memory_space<vmem>>
      %dma_wait3A_103 = arith.constant 0 : i32
      %dma_wait3A_104 = tpu.memref_slice %arg16[%dma_wait3A_103] : memref<525312xf32, #tpu.memory_space<vmem_shared>> -> memref<525312xf32, #tpu.memory_space<vmem_shared>>
      tpu.wait_indirect_dma semaphore(%arg18 : memref<!tpu.dma_semaphore, #tpu.memory_space<semaphore_mem>>) src(%dma_wait3A_99 : memref<128xf32, #tpu.memory_space<vmem>>) dst(%dma_wait3A_104 : memref<525312xf32, #tpu.memory_space<vmem_shared>>)
    }
    %scan3A_8 = arith.constant 74 : i32
    %barrier3A = arith.constant 0 : index
    tpu.barrier barrier_id(%barrier3A)
    %scan3A_9 = arith.constant 0 : i32
    %scan3A_10 = arith.constant 74 : i32
    %scan3A_11 = arith.addi %scan3A_9, %scan3A_10 : i32
    %scan3A_12 = arith.constant 1 : i32
    scf.for %scan3A_96 = %scan3A_9 to %scan3A_11 step %scan3A_12  : i32 {
      %dma_start3A_97 = arith.constant 0 : i32
      %dma_start3A_98 = tpu.memref_slice %arg14[%scan3A_96, %dma_start3A_97] : memref<74x128xf32, #tpu.memory_space<vmem>> -> memref<1x128xf32, #tpu.memory_space<vmem>>
      %dma_start3A_99 = tpu.memref_squeeze %dma_start3A_98 : memref<1x128xf32, #tpu.memory_space<vmem>> -> memref<128xf32, #tpu.memory_space<vmem>>
      %dma_start3A_100 = arith.constant 0 : i32
      %dma_start3A_101 = tpu.memref_slice %arg10[%scan3A_96, %dma_start3A_100] : memref<74x128xi32, #tpu.memory_space<vmem>> -> memref<1x128xi32, #tpu.memory_space<vmem>>
      %dma_start3A_102 = tpu.memref_squeeze %dma_start3A_101 : memref<1x128xi32, #tpu.memory_space<vmem>> -> memref<128xi32, #tpu.memory_space<vmem>>
      %dma_start3A_103 = arith.constant 0 : i32
      %dma_start3A_104 = tpu.memref_slice %arg16[%dma_start3A_103] : memref<525312xf32, #tpu.memory_space<vmem_shared>> -> memref<525312xf32, #tpu.memory_space<vmem_shared>>
      tpu.enqueue_indirect_dma source(%dma_start3A_104 : memref<525312xf32, #tpu.memory_space<vmem_shared>>) target(%dma_start3A_99 : memref<128xf32, #tpu.memory_space<vmem>>) offsets(%dma_start3A_102 : memref<128xi32, #tpu.memory_space<vmem>>) semaphore(%arg18 : memref<!tpu.dma_semaphore, #tpu.memory_space<semaphore_mem>>)
    }
    %scan3A_13 = arith.constant 74 : i32
    %scan3A_14 = arith.constant 0 : i32
    %scan3A_15 = arith.constant 74 : i32
    %scan3A_16 = arith.addi %scan3A_14, %scan3A_15 : i32
    %scan3A_17 = arith.constant 1 : i32
    scf.for %scan3A_96 = %scan3A_14 to %scan3A_16 step %scan3A_17  : i32 {
      %dma_wait3A_97 = arith.constant 0 : i32
      %dma_wait3A_98 = tpu.memref_slice %arg14[%scan3A_96, %dma_wait3A_97] : memref<74x128xf32, #tpu.memory_space<vmem>> -> memref<1x128xf32, #tpu.memory_space<vmem>>
      %dma_wait3A_99 = tpu.memref_squeeze %dma_wait3A_98 : memref<1x128xf32, #tpu.memory_space<vmem>> -> memref<128xf32, #tpu.memory_space<vmem>>
      %dma_wait3A_100 = arith.constant 0 : i32
      %dma_wait3A_101 = tpu.memref_slice %arg10[%scan3A_96, %dma_wait3A_100] : memref<74x128xi32, #tpu.memory_space<vmem>> -> memref<1x128xi32, #tpu.memory_space<vmem>>
      %dma_wait3A_102 = tpu.memref_squeeze %dma_wait3A_101 : memref<1x128xi32, #tpu.memory_space<vmem>> -> memref<128xi32, #tpu.memory_space<vmem>>
      %dma_wait3A_103 = arith.constant 0 : i32
      %dma_wait3A_104 = tpu.memref_slice %arg16[%dma_wait3A_103] : memref<525312xf32, #tpu.memory_space<vmem_shared>> -> memref<525312xf32, #tpu.memory_space<vmem_shared>>
      tpu.wait_indirect_dma semaphore(%arg18 : memref<!tpu.dma_semaphore, #tpu.memory_space<semaphore_mem>>) src(%dma_wait3A_104 : memref<525312xf32, #tpu.memory_space<vmem_shared>>) dst(%dma_wait3A_99 : memref<128xf32, #tpu.memory_space<vmem>>)
    }
    %scan3A_18 = arith.constant 74 : i32
    %scan3A_19 = arith.constant 0 : i32
    %scan3A_20 = arith.constant 592 : i32
    %scan3A_21 = arith.addi %scan3A_19, %scan3A_20 : i32
    %scan3A_22 = arith.constant 1 : i32
    scf.for %scan3A_96 = %scan3A_19 to %scan3A_21 step %scan3A_22  : i32 {
      %jit3A = arith.constant 8 : i32
      %div3A = arith.divsi %scan3A_96, %jit3A : i32
      %sign3A = arith.constant 0 : i32
      %sign3A_97 = arith.cmpi sgt, %scan3A_96, %sign3A : i32
      %sign3A_98 = arith.extui %sign3A_97 : i1 to i32
      %sign3A_99 = arith.constant 0 : i32
      %sign3A_100 = arith.cmpi slt, %scan3A_96, %sign3A_99 : i32
      %sign3A_101 = arith.extui %sign3A_100 : i1 to i32
      %sign3A_102 = arith.subi %sign3A_98, %sign3A_101 : i32
      %sign3A_103 = arith.constant 0 : i32
      %sign3A_104 = arith.cmpi sgt, %jit3A, %sign3A_103 : i32
      %sign3A_105 = arith.extui %sign3A_104 : i1 to i32
      %sign3A_106 = arith.constant 0 : i32
      %sign3A_107 = arith.cmpi slt, %jit3A, %sign3A_106 : i32
      %sign3A_108 = arith.extui %sign3A_107 : i1 to i32
      %sign3A_109 = arith.subi %sign3A_105, %sign3A_108 : i32
      %ne3A = arith.cmpi ne, %sign3A_102, %sign3A_109 : i32
      %rem3A = arith.remsi %scan3A_96, %jit3A : i32
      %ne3A_110 = arith.constant 0 : i32
      %ne3A_111 = arith.cmpi ne, %rem3A, %ne3A_110 : i32
      %and3A = arith.andi %ne3A, %ne3A_111 : i1
      %sub3A = arith.constant 1 : i32
      %sub3A_112 = arith.subi %div3A, %sub3A : i32
      %select_n3A = arith.select %and3A, %sub3A_112, %div3A : i32
      %jit3A_113 = arith.constant 8 : i32
      %eq3A = arith.constant 0 : i32
      %eq3A_114 = arith.cmpi eq, %jit3A_113, %eq3A : i32
      %jit3A_115 = arith.constant 1 : i32
      %select_n3A_116 = arith.select %eq3A_114, %jit3A_115, %jit3A_113 : i32
      %rem3A_117 = arith.remsi %scan3A_96, %select_n3A_116 : i32
      %ne3A_118 = arith.constant 0 : i32
      %ne3A_119 = arith.cmpi ne, %rem3A_117, %ne3A_118 : i32
      %lt3A = arith.constant 0 : i32
      %lt3A_120 = arith.cmpi slt, %rem3A_117, %lt3A : i32
      %lt3A_121 = arith.constant 0 : i32
      %lt3A_122 = arith.cmpi slt, %select_n3A_116, %lt3A_121 : i32
      %ne3A_123 = arith.xori %lt3A_120, %lt3A_122 : i1
      %and3A_124 = arith.andi %ne3A_123, %ne3A_119 : i1
      %add3A_125 = arith.addi %rem3A_117, %select_n3A_116 : i32
      %select_n3A_126 = arith.select %and3A_124, %add3A_125, %rem3A_117 : i32
      %mul3A_127 = arith.constant 16 : i32
      %mul3A_128 = arith.muli %select_n3A_126, %mul3A_127 : i32
      %get3A = arith.index_cast %select_n3A : i32 to index
      %get3A_129 = arith.index_cast %mul3A_128 : i32 to index
      %get3A_130 = tpu.vector_load %arg14[%get3A, %get3A_129] {strides = array<i32>} : memref<74x128xf32, #tpu.memory_space<vmem>>, vector<1x16xf32>,
      %get3A_131 = vector.shape_cast %get3A_130 : vector<1x16xf32> to vector<16xf32>
      %bitcast_convert_type3A = tpu.bitcast %get3A_131 : vector<16xf32> -> vector<16xi32>
      %get3A_132 = arith.index_cast %select_n3A : i32 to index
      %get3A_133 = arith.index_cast %mul3A_128 : i32 to index
      %get3A_134 = tpu.vector_load %arg12[%get3A_132, %get3A_133] {strides = array<i32>} : memref<74x128xf32, #tpu.memory_space<vmem>>, vector<1x16xf32>,
      %get3A_135 = vector.shape_cast %get3A_134 : vector<1x16xf32> to vector<16xf32>
      %bitcast_convert_type3A_136 = tpu.bitcast %get3A_135 : vector<16xf32> -> vector<16xi32>
      %eq3A_137 = arith.cmpi eq, %bitcast_convert_type3A, %bitcast_convert_type3A_136 : vector<16xi32>
      %get3A_138 = arith.index_cast %select_n3A : i32 to index
      %get3A_139 = arith.index_cast %mul3A_128 : i32 to index
      %get3A_140 = tpu.vector_load %arg10[%get3A_138, %get3A_139] {strides = array<i32>} : memref<74x128xi32, #tpu.memory_space<vmem>>, vector<1x16xi32>,
      %get3A_141 = vector.shape_cast %get3A_140 : vector<1x16xi32> to vector<16xi32>
      %get3A_142 = arith.index_cast %select_n3A : i32 to index
      %get3A_143 = arith.index_cast %mul3A_128 : i32 to index
      %get3A_144 = tpu.vector_load %arg11[%get3A_142, %get3A_143] {strides = array<i32>} : memref<74x128xi32, #tpu.memory_space<vmem>>, vector<1x16xi32>,
      %get3A_145 = vector.shape_cast %get3A_144 : vector<1x16xi32> to vector<16xi32>
      %select_n3A_146 = arith.select %eq3A_137, %get3A_141, %get3A_145 : vector<16xi1>, vector<16xi32>
      %swap3A = arith.index_cast %select_n3A : i32 to index
      %swap3A_147 = arith.index_cast %mul3A_128 : i32 to index
      %swap3A_148 = tpu.vector_load %arg13[%swap3A, %swap3A_147] {strides = array<i32>} : memref<74x128xi32, #tpu.memory_space<vmem>>, vector<1x16xi32>,
      %swap3A_149 = vector.shape_cast %swap3A_148 : vector<1x16xi32> to vector<16xi32>
      %swap3A_150 = vector.shape_cast %select_n3A_146 : vector<16xi32> to vector<1x16xi32>
      tpu.vector_store %arg13[%swap3A, %swap3A_147], %swap3A_150 {strides = array<i32>} : memref<74x128xi32, #tpu.memory_space<vmem>>, vector<1x16xi32>,
    }
    %scan3A_23 = arith.constant 592 : i32
    %barrier3A_24 = arith.constant 0 : index
    tpu.barrier barrier_id(%barrier3A_24)
    %mul3A = arith.constant 16384 : i32
    %mul3A_25 = arith.muli %arg1, %mul3A : i32
    %mul3A_26 = arith.constant 32 : i32
    %mul3A_27 = arith.muli %arg0, %mul3A_26 : i32
    %add3A = arith.constant 0 : i32
    %add3A_28 = arith.addi %mul3A_27, %add3A : i32
    %add3A_29 = arith.constant 0 : i32
    %add3A_30 = arith.addi %add3A_29, %add3A_28 : i32
    %add3A_31 = arith.constant 0 : i32
    %add3A_32 = arith.addi %add3A_31, %mul3A_25 : i32
    %dma_start3A = tpu.memref_slice %arg15[%add3A_32] : memref<525312xf32, #tpu.memory_space<vmem_shared>> -> memref<16384xf32, #tpu.memory_space<vmem_shared>>
    %dma_start3A_33 = tpu.memref_slice %arg2[%add3A_30, %mul3A_25] : memref<128x262144xf32, #tpu.memory_space<hbm>> -> memref<1x16384xf32, #tpu.memory_space<hbm>>
    %dma_start3A_34 = tpu.memref_squeeze %dma_start3A_33 : memref<1x16384xf32, #tpu.memory_space<hbm>> -> memref<16384xf32, #tpu.memory_space<hbm>>
    tpu.enqueue_dma source(%dma_start3A_34 : memref<16384xf32, #tpu.memory_space<hbm>>) target(%dma_start3A : memref<16384xf32, #tpu.memory_space<vmem_shared>>) target_semaphore(%arg17 : memref<!tpu.dma_semaphore, #tpu.memory_space<semaphore_mem>>)
    %add3A_35 = arith.constant 64 : i32
    %add3A_36 = arith.addi %add3A_35, %add3A_28 : i32
    %add3A_37 = arith.constant 262144 : i32
    %add3A_38 = arith.addi %add3A_37, %mul3A_25 : i32
    %dma_start3A_39 = tpu.memref_slice %arg15[%add3A_38] : memref<525312xf32, #tpu.memory_space<vmem_shared>> -> memref<16384xf32, #tpu.memory_space<vmem_shared>>
    %dma_start3A_40 = tpu.memref_slice %arg2[%add3A_36, %mul3A_25] : memref<128x262144xf32, #tpu.memory_space<hbm>> -> memref<1x16384xf32, #tpu.memory_space<hbm>>
    %dma_start3A_41 = tpu.memref_squeeze %dma_start3A_40 : memref<1x16384xf32, #tpu.memory_space<hbm>> -> memref<16384xf32, #tpu.memory_space<hbm>>
    tpu.enqueue_dma source(%dma_start3A_41 : memref<16384xf32, #tpu.memory_space<hbm>>) target(%dma_start3A_39 : memref<16384xf32, #tpu.memory_space<vmem_shared>>) target_semaphore(%arg17 : memref<!tpu.dma_semaphore, #tpu.memory_space<semaphore_mem>>)
    %mul3A_42 = arith.constant 32 : i32
    %mul3A_43 = arith.muli %arg0, %mul3A_42 : i32
    %add3A_44 = arith.constant 0 : i32
    %add3A_45 = arith.addi %mul3A_43, %add3A_44 : i32
    %add3A_46 = arith.constant 0 : i32
    %add3A_47 = arith.addi %add3A_46, %add3A_45 : i32
    %add3A_48 = arith.constant 0 : i32
    %add3A_49 = arith.addi %add3A_48, %mul3A_25 : i32
    %dma_start3A_50 = tpu.memref_slice %arg16[%add3A_49] : memref<525312xf32, #tpu.memory_space<vmem_shared>> -> memref<16384xf32, #tpu.memory_space<vmem_shared>>
    %dma_start3A_51 = tpu.memref_slice %arg3[%add3A_47, %mul3A_25] : memref<128x262144xf32, #tpu.memory_space<hbm>> -> memref<1x16384xf32, #tpu.memory_space<hbm>>
    %dma_start3A_52 = tpu.memref_squeeze %dma_start3A_51 : memref<1x16384xf32, #tpu.memory_space<hbm>> -> memref<16384xf32, #tpu.memory_space<hbm>>
    tpu.enqueue_dma source(%dma_start3A_52 : memref<16384xf32, #tpu.memory_space<hbm>>) target(%dma_start3A_50 : memref<16384xf32, #tpu.memory_space<vmem_shared>>) target_semaphore(%arg17 : memref<!tpu.dma_semaphore, #tpu.memory_space<semaphore_mem>>)
    %add3A_53 = arith.constant 64 : i32
    %add3A_54 = arith.addi %add3A_53, %add3A_45 : i32
    %add3A_55 = arith.constant 262144 : i32
    %add3A_56 = arith.addi %add3A_55, %mul3A_25 : i32
    %dma_start3A_57 = tpu.memref_slice %arg16[%add3A_56] : memref<525312xf32, #tpu.memory_space<vmem_shared>> -> memref<16384xf32, #tpu.memory_space<vmem_shared>>
    %dma_start3A_58 = tpu.memref_slice %arg3[%add3A_54, %mul3A_25] : memref<128x262144xf32, #tpu.memory_space<hbm>> -> memref<1x16384xf32, #tpu.memory_space<hbm>>
    %dma_start3A_59 = tpu.memref_squeeze %dma_start3A_58 : memref<1x16384xf32, #tpu.memory_space<hbm>> -> memref<16384xf32, #tpu.memory_space<hbm>>
    tpu.enqueue_dma source(%dma_start3A_59 : memref<16384xf32, #tpu.memory_space<hbm>>) target(%dma_start3A_57 : memref<16384xf32, #tpu.memory_space<vmem_shared>>) target_semaphore(%arg17 : memref<!tpu.dma_semaphore, #tpu.memory_space<semaphore_mem>>)
    %scan3A_60 = arith.constant 0 : i32
    %scan3A_61 = arith.constant 32 : i32
    %scan3A_62 = arith.addi %scan3A_60, %scan3A_61 : i32
    %scan3A_63 = arith.constant 1 : i32
    scf.for %scan3A_96 = %scan3A_60 to %scan3A_62 step %scan3A_63  : i32 {
      %mul3A_97 = arith.constant 32 : i32
      %mul3A_98 = arith.muli %arg0, %mul3A_97 : i32
      %add3A_99 = arith.addi %mul3A_98, %scan3A_96 : i32
      %add3A_100 = arith.constant 0 : i32
      %add3A_101 = arith.addi %add3A_100, %add3A_99 : i32
      %add3A_102 = arith.constant 0 : i32
      %add3A_103 = arith.addi %add3A_102, %mul3A_25 : i32
      %dma_wait3A_104 = tpu.memref_slice %arg15[%add3A_103] : memref<525312xf32, #tpu.memory_space<vmem_shared>> -> memref<16384xf32, #tpu.memory_space<vmem_shared>>
      %dma_wait3A_105 = tpu.memref_slice %arg2[%add3A_101, %mul3A_25] : memref<128x262144xf32, #tpu.memory_space<hbm>> -> memref<1x16384xf32, #tpu.memory_space<hbm>>
      %dma_wait3A_106 = tpu.memref_squeeze %dma_wait3A_105 : memref<1x16384xf32, #tpu.memory_space<hbm>> -> memref<16384xf32, #tpu.memory_space<hbm>>
      tpu.wait_dma2 semaphore(%arg17 : memref<!tpu.dma_semaphore, #tpu.memory_space<semaphore_mem>>) src(%dma_wait3A_106 : memref<16384xf32, #tpu.memory_space<hbm>>) dst(%dma_wait3A_104 : memref<16384xf32, #tpu.memory_space<vmem_shared>>)
      %add3A_107 = arith.constant 0 : i32
      %add3A_108 = arith.addi %add3A_107, %add3A_99 : i32
      %add3A_109 = arith.constant 0 : i32
      %add3A_110 = arith.addi %add3A_109, %mul3A_25 : i32
      %dma_wait3A_111 = tpu.memref_slice %arg16[%add3A_110] : memref<525312xf32, #tpu.memory_space<vmem_shared>> -> memref<16384xf32, #tpu.memory_space<vmem_shared>>
      %dma_wait3A_112 = tpu.memref_slice %arg3[%add3A_108, %mul3A_25] : memref<128x262144xf32, #tpu.memory_space<hbm>> -> memref<1x16384xf32, #tpu.memory_space<hbm>>
      %dma_wait3A_113 = tpu.memref_squeeze %dma_wait3A_112 : memref<1x16384xf32, #tpu.memory_space<hbm>> -> memref<16384xf32, #tpu.memory_space<hbm>>
      tpu.wait_dma2 semaphore(%arg17 : memref<!tpu.dma_semaphore, #tpu.memory_space<semaphore_mem>>) src(%dma_wait3A_113 : memref<16384xf32, #tpu.memory_space<hbm>>) dst(%dma_wait3A_111 : memref<16384xf32, #tpu.memory_space<vmem_shared>>)
      %add3A_114 = arith.constant 64 : i32
      %add3A_115 = arith.addi %add3A_114, %add3A_99 : i32
      %add3A_116 = arith.constant 262144 : i32
      %add3A_117 = arith.addi %add3A_116, %mul3A_25 : i32
      %dma_wait3A_118 = tpu.memref_slice %arg15[%add3A_117] : memref<525312xf32, #tpu.memory_space<vmem_shared>> -> memref<16384xf32, #tpu.memory_space<vmem_shared>>
      %dma_wait3A_119 = tpu.memref_slice %arg2[%add3A_115, %mul3A_25] : memref<128x262144xf32, #tpu.memory_space<hbm>> -> memref<1x16384xf32, #tpu.memory_space<hbm>>
      %dma_wait3A_120 = tpu.memref_squeeze %dma_wait3A_119 : memref<1x16384xf32, #tpu.memory_space<hbm>> -> memref<16384xf32, #tpu.memory_space<hbm>>
      tpu.wait_dma2 semaphore(%arg17 : memref<!tpu.dma_semaphore, #tpu.memory_space<semaphore_mem>>) src(%dma_wait3A_120 : memref<16384xf32, #tpu.memory_space<hbm>>) dst(%dma_wait3A_118 : memref<16384xf32, #tpu.memory_space<vmem_shared>>)
      %add3A_121 = arith.constant 64 : i32
      %add3A_122 = arith.addi %add3A_121, %add3A_99 : i32
      %add3A_123 = arith.constant 262144 : i32
      %add3A_124 = arith.addi %add3A_123, %mul3A_25 : i32
      %dma_wait3A_125 = tpu.memref_slice %arg16[%add3A_124] : memref<525312xf32, #tpu.memory_space<vmem_shared>> -> memref<16384xf32, #tpu.memory_space<vmem_shared>>
      %dma_wait3A_126 = tpu.memref_slice %arg3[%add3A_122, %mul3A_25] : memref<128x262144xf32, #tpu.memory_space<hbm>> -> memref<1x16384xf32, #tpu.memory_space<hbm>>
      %dma_wait3A_127 = tpu.memref_squeeze %dma_wait3A_126 : memref<1x16384xf32, #tpu.memory_space<hbm>> -> memref<16384xf32, #tpu.memory_space<hbm>>
      tpu.wait_dma2 semaphore(%arg17 : memref<!tpu.dma_semaphore, #tpu.memory_space<semaphore_mem>>) src(%dma_wait3A_127 : memref<16384xf32, #tpu.memory_space<hbm>>) dst(%dma_wait3A_125 : memref<16384xf32, #tpu.memory_space<vmem_shared>>)
      %barrier3A_128 = arith.constant 0 : index
      tpu.barrier barrier_id(%barrier3A_128)
      %scan3A_129 = arith.constant 0 : i32
      %scan3A_130 = arith.constant 74 : i32
      %scan3A_131 = arith.addi %scan3A_129, %scan3A_130 : i32
      %scan3A_132 = arith.constant 1 : i32
      scf.for %scan3A_210 = %scan3A_129 to %scan3A_131 step %scan3A_132  : i32 {
        %dma_start3A_211 = arith.constant 0 : i32
        %dma_start3A_212 = tpu.memref_slice %arg14[%scan3A_210, %dma_start3A_211] : memref<74x128xf32, #tpu.memory_space<vmem>> -> memref<1x128xf32, #tpu.memory_space<vmem>>
        %dma_start3A_213 = tpu.memref_squeeze %dma_start3A_212 : memref<1x128xf32, #tpu.memory_space<vmem>> -> memref<128xf32, #tpu.memory_space<vmem>>
        %dma_start3A_214 = arith.constant 0 : i32
        %dma_start3A_215 = tpu.memref_slice %arg9[%scan3A_210, %dma_start3A_214] : memref<74x128xi32, #tpu.memory_space<vmem>> -> memref<1x128xi32, #tpu.memory_space<vmem>>
        %dma_start3A_216 = tpu.memref_squeeze %dma_start3A_215 : memref<1x128xi32, #tpu.memory_space<vmem>> -> memref<128xi32, #tpu.memory_space<vmem>>
        %dma_start3A_217 = arith.constant 0 : i32
        %dma_start3A_218 = tpu.memref_slice %arg16[%dma_start3A_217] : memref<525312xf32, #tpu.memory_space<vmem_shared>> -> memref<525312xf32, #tpu.memory_space<vmem_shared>>
        tpu.enqueue_indirect_dma source(%dma_start3A_218 : memref<525312xf32, #tpu.memory_space<vmem_shared>>) target(%dma_start3A_213 : memref<128xf32, #tpu.memory_space<vmem>>) offsets(%dma_start3A_216 : memref<128xi32, #tpu.memory_space<vmem>>) semaphore(%arg18 : memref<!tpu.dma_semaphore, #tpu.memory_space<semaphore_mem>>)
      }
      %scan3A_133 = arith.constant 74 : i32
      %scan3A_134 = arith.constant 0 : i32
      %scan3A_135 = arith.constant 74 : i32
      %scan3A_136 = arith.addi %scan3A_134, %scan3A_135 : i32
      %scan3A_137 = arith.constant 1 : i32
      scf.for %scan3A_210 = %scan3A_134 to %scan3A_136 step %scan3A_137  : i32 {
        %dma_wait3A_211 = arith.constant 0 : i32
        %dma_wait3A_212 = tpu.memref_slice %arg14[%scan3A_210, %dma_wait3A_211] : memref<74x128xf32, #tpu.memory_space<vmem>> -> memref<1x128xf32, #tpu.memory_space<vmem>>
        %dma_wait3A_213 = tpu.memref_squeeze %dma_wait3A_212 : memref<1x128xf32, #tpu.memory_space<vmem>> -> memref<128xf32, #tpu.memory_space<vmem>>
        %dma_wait3A_214 = arith.constant 0 : i32
        %dma_wait3A_215 = tpu.memref_slice %arg9[%scan3A_210, %dma_wait3A_214] : memref<74x128xi32, #tpu.memory_space<vmem>> -> memref<1x128xi32, #tpu.memory_space<vmem>>
        %dma_wait3A_216 = tpu.memref_squeeze %dma_wait3A_215 : memref<1x128xi32, #tpu.memory_space<vmem>> -> memref<128xi32, #tpu.memory_space<vmem>>
        %dma_wait3A_217 = arith.constant 0 : i32
        %dma_wait3A_218 = tpu.memref_slice %arg16[%dma_wait3A_217] : memref<525312xf32, #tpu.memory_space<vmem_shared>> -> memref<525312xf32, #tpu.memory_space<vmem_shared>>
        tpu.wait_indirect_dma semaphore(%arg18 : memref<!tpu.dma_semaphore, #tpu.memory_space<semaphore_mem>>) src(%dma_wait3A_218 : memref<525312xf32, #tpu.memory_space<vmem_shared>>) dst(%dma_wait3A_213 : memref<128xf32, #tpu.memory_space<vmem>>)
      }
      %scan3A_138 = arith.constant 74 : i32
      %scan3A_139 = arith.constant 0 : i32
      %scan3A_140 = arith.constant 74 : i32
      %scan3A_141 = arith.addi %scan3A_139, %scan3A_140 : i32
      %scan3A_142 = arith.constant 1 : i32
      scf.for %scan3A_210 = %scan3A_139 to %scan3A_141 step %scan3A_142  : i32 {
        %dma_start3A_211 = arith.constant 0 : i32
        %dma_start3A_212 = tpu.memref_slice %arg14[%scan3A_210, %dma_start3A_211] : memref<74x128xf32, #tpu.memory_space<vmem>> -> memref<1x128xf32, #tpu.memory_space<vmem>>
        %dma_start3A_213 = tpu.memref_squeeze %dma_start3A_212 : memref<1x128xf32, #tpu.memory_space<vmem>> -> memref<128xf32, #tpu.memory_space<vmem>>
        %dma_start3A_214 = arith.constant 0 : i32
        %dma_start3A_215 = tpu.memref_slice %arg13[%scan3A_210, %dma_start3A_214] : memref<74x128xi32, #tpu.memory_space<vmem>> -> memref<1x128xi32, #tpu.memory_space<vmem>>
        %dma_start3A_216 = tpu.memref_squeeze %dma_start3A_215 : memref<1x128xi32, #tpu.memory_space<vmem>> -> memref<128xi32, #tpu.memory_space<vmem>>
        %dma_start3A_217 = arith.constant 0 : i32
        %dma_start3A_218 = tpu.memref_slice %arg15[%dma_start3A_217] : memref<525312xf32, #tpu.memory_space<vmem_shared>> -> memref<525312xf32, #tpu.memory_space<vmem_shared>>
        tpu.enqueue_indirect_dma source(%dma_start3A_213 : memref<128xf32, #tpu.memory_space<vmem>>) target(%dma_start3A_218 : memref<525312xf32, #tpu.memory_space<vmem_shared>>) offsets(%dma_start3A_216 : memref<128xi32, #tpu.memory_space<vmem>>) semaphore(%arg18 : memref<!tpu.dma_semaphore, #tpu.memory_space<semaphore_mem>>) {add = true}
      }
      %scan3A_143 = arith.constant 74 : i32
      %scan3A_144 = arith.constant 0 : i32
      %scan3A_145 = arith.constant 74 : i32
      %scan3A_146 = arith.addi %scan3A_144, %scan3A_145 : i32
      %scan3A_147 = arith.constant 1 : i32
      scf.for %scan3A_210 = %scan3A_144 to %scan3A_146 step %scan3A_147  : i32 {
        %dma_wait3A_211 = arith.constant 0 : i32
        %dma_wait3A_212 = tpu.memref_slice %arg14[%scan3A_210, %dma_wait3A_211] : memref<74x128xf32, #tpu.memory_space<vmem>> -> memref<1x128xf32, #tpu.memory_space<vmem>>
        %dma_wait3A_213 = tpu.memref_squeeze %dma_wait3A_212 : memref<1x128xf32, #tpu.memory_space<vmem>> -> memref<128xf32, #tpu.memory_space<vmem>>
        %dma_wait3A_214 = arith.constant 0 : i32
        %dma_wait3A_215 = tpu.memref_slice %arg13[%scan3A_210, %dma_wait3A_214] : memref<74x128xi32, #tpu.memory_space<vmem>> -> memref<1x128xi32, #tpu.memory_space<vmem>>
        %dma_wait3A_216 = tpu.memref_squeeze %dma_wait3A_215 : memref<1x128xi32, #tpu.memory_space<vmem>> -> memref<128xi32, #tpu.memory_space<vmem>>
        %dma_wait3A_217 = arith.constant 0 : i32
        %dma_wait3A_218 = tpu.memref_slice %arg15[%dma_wait3A_217] : memref<525312xf32, #tpu.memory_space<vmem_shared>> -> memref<525312xf32, #tpu.memory_space<vmem_shared>>
        tpu.wait_indirect_dma semaphore(%arg18 : memref<!tpu.dma_semaphore, #tpu.memory_space<semaphore_mem>>) src(%dma_wait3A_213 : memref<128xf32, #tpu.memory_space<vmem>>) dst(%dma_wait3A_218 : memref<525312xf32, #tpu.memory_space<vmem_shared>>)
      }
      %scan3A_148 = arith.constant 74 : i32
      %barrier3A_149 = arith.constant 0 : index
      tpu.barrier barrier_id(%barrier3A_149)
      %add3A_150 = arith.constant 1 : i32
      %add3A_151 = arith.addi %scan3A_96, %add3A_150 : i32
      %min3A = arith.constant 31 : i32
      %min3A_152 = arith.minsi %add3A_151, %min3A : i32
      %mul3A_153 = arith.constant 32 : i32
      %mul3A_154 = arith.muli %arg0, %mul3A_153 : i32
      %add3A_155 = arith.addi %mul3A_154, %min3A_152 : i32
      %add3A_156 = arith.constant 0 : i32
      %add3A_157 = arith.addi %add3A_156, %add3A_155 : i32
      %add3A_158 = arith.constant 0 : i32
      %add3A_159 = arith.addi %add3A_158, %mul3A_25 : i32
      %dma_start3A_160 = tpu.memref_slice %arg16[%add3A_159] : memref<525312xf32, #tpu.memory_space<vmem_shared>> -> memref<16384xf32, #tpu.memory_space<vmem_shared>>
      %dma_start3A_161 = tpu.memref_slice %arg3[%add3A_157, %mul3A_25] : memref<128x262144xf32, #tpu.memory_space<hbm>> -> memref<1x16384xf32, #tpu.memory_space<hbm>>
      %dma_start3A_162 = tpu.memref_squeeze %dma_start3A_161 : memref<1x16384xf32, #tpu.memory_space<hbm>> -> memref<16384xf32, #tpu.memory_space<hbm>>
      tpu.enqueue_dma source(%dma_start3A_162 : memref<16384xf32, #tpu.memory_space<hbm>>) target(%dma_start3A_160 : memref<16384xf32, #tpu.memory_space<vmem_shared>>) target_semaphore(%arg17 : memref<!tpu.dma_semaphore, #tpu.memory_space<semaphore_mem>>)
      %add3A_163 = arith.constant 64 : i32
      %add3A_164 = arith.addi %add3A_163, %add3A_155 : i32
      %add3A_165 = arith.constant 262144 : i32
      %add3A_166 = arith.addi %add3A_165, %mul3A_25 : i32
      %dma_start3A_167 = tpu.memref_slice %arg16[%add3A_166] : memref<525312xf32, #tpu.memory_space<vmem_shared>> -> memref<16384xf32, #tpu.memory_space<vmem_shared>>
      %dma_start3A_168 = tpu.memref_slice %arg3[%add3A_164, %mul3A_25] : memref<128x262144xf32, #tpu.memory_space<hbm>> -> memref<1x16384xf32, #tpu.memory_space<hbm>>
      %dma_start3A_169 = tpu.memref_squeeze %dma_start3A_168 : memref<1x16384xf32, #tpu.memory_space<hbm>> -> memref<16384xf32, #tpu.memory_space<hbm>>
      tpu.enqueue_dma source(%dma_start3A_169 : memref<16384xf32, #tpu.memory_space<hbm>>) target(%dma_start3A_167 : memref<16384xf32, #tpu.memory_space<vmem_shared>>) target_semaphore(%arg17 : memref<!tpu.dma_semaphore, #tpu.memory_space<semaphore_mem>>)
      %mul3A_170 = arith.constant 32 : i32
      %mul3A_171 = arith.muli %arg0, %mul3A_170 : i32
      %add3A_172 = arith.addi %mul3A_171, %scan3A_96 : i32
      %add3A_173 = arith.constant 0 : i32
      %add3A_174 = arith.addi %add3A_173, %add3A_172 : i32
      %add3A_175 = arith.constant 0 : i32
      %add3A_176 = arith.addi %add3A_175, %mul3A_25 : i32
      %dma_start3A_177 = tpu.memref_slice %arg8[%add3A_174, %mul3A_25] : memref<128x262144xf32, #tpu.memory_space<hbm>> -> memref<1x16384xf32, #tpu.memory_space<hbm>>
      %dma_start3A_178 = tpu.memref_squeeze %dma_start3A_177 : memref<1x16384xf32, #tpu.memory_space<hbm>> -> memref<16384xf32, #tpu.memory_space<hbm>>
      %dma_start3A_179 = tpu.memref_slice %arg15[%add3A_176] : memref<525312xf32, #tpu.memory_space<vmem_shared>> -> memref<16384xf32, #tpu.memory_space<vmem_shared>>
      tpu.enqueue_dma source(%dma_start3A_179 : memref<16384xf32, #tpu.memory_space<vmem_shared>>) target(%dma_start3A_178 : memref<16384xf32, #tpu.memory_space<hbm>>) target_semaphore(%arg19 : memref<!tpu.dma_semaphore, #tpu.memory_space<semaphore_mem>>)
      %add3A_180 = arith.constant 64 : i32
      %add3A_181 = arith.addi %add3A_180, %add3A_172 : i32
      %add3A_182 = arith.constant 262144 : i32
      %add3A_183 = arith.addi %add3A_182, %mul3A_25 : i32
      %dma_start3A_184 = tpu.memref_slice %arg8[%add3A_181, %mul3A_25] : memref<128x262144xf32, #tpu.memory_space<hbm>> -> memref<1x16384xf32, #tpu.memory_space<hbm>>
      %dma_start3A_185 = tpu.memref_squeeze %dma_start3A_184 : memref<1x16384xf32, #tpu.memory_space<hbm>> -> memref<16384xf32, #tpu.memory_space<hbm>>
      %dma_start3A_186 = tpu.memref_slice %arg15[%add3A_183] : memref<525312xf32, #tpu.memory_space<vmem_shared>> -> memref<16384xf32, #tpu.memory_space<vmem_shared>>
      tpu.enqueue_dma source(%dma_start3A_186 : memref<16384xf32, #tpu.memory_space<vmem_shared>>) target(%dma_start3A_185 : memref<16384xf32, #tpu.memory_space<hbm>>) target_semaphore(%arg19 : memref<!tpu.dma_semaphore, #tpu.memory_space<semaphore_mem>>)
      %dma_wait3A_187 = tpu.memref_slice %arg8[%add3A_174, %mul3A_25] : memref<128x262144xf32, #tpu.memory_space<hbm>> -> memref<1x16384xf32, #tpu.memory_space<hbm>>
      %dma_wait3A_188 = tpu.memref_squeeze %dma_wait3A_187 : memref<1x16384xf32, #tpu.memory_space<hbm>> -> memref<16384xf32, #tpu.memory_space<hbm>>
      %dma_wait3A_189 = tpu.memref_slice %arg15[%add3A_176] : memref<525312xf32, #tpu.memory_space<vmem_shared>> -> memref<16384xf32, #tpu.memory_space<vmem_shared>>
      tpu.wait_dma2 semaphore(%arg19 : memref<!tpu.dma_semaphore, #tpu.memory_space<semaphore_mem>>) src(%dma_wait3A_189 : memref<16384xf32, #tpu.memory_space<vmem_shared>>) dst(%dma_wait3A_188 : memref<16384xf32, #tpu.memory_space<hbm>>)
      %dma_wait3A_190 = tpu.memref_slice %arg8[%add3A_181, %mul3A_25] : memref<128x262144xf32, #tpu.memory_space<hbm>> -> memref<1x16384xf32, #tpu.memory_space<hbm>>
      %dma_wait3A_191 = tpu.memref_squeeze %dma_wait3A_190 : memref<1x16384xf32, #tpu.memory_space<hbm>> -> memref<16384xf32, #tpu.memory_space<hbm>>
      %dma_wait3A_192 = tpu.memref_slice %arg15[%add3A_183] : memref<525312xf32, #tpu.memory_space<vmem_shared>> -> memref<16384xf32, #tpu.memory_space<vmem_shared>>
      tpu.wait_dma2 semaphore(%arg19 : memref<!tpu.dma_semaphore, #tpu.memory_space<semaphore_mem>>) src(%dma_wait3A_192 : memref<16384xf32, #tpu.memory_space<vmem_shared>>) dst(%dma_wait3A_191 : memref<16384xf32, #tpu.memory_space<hbm>>)
      %mul3A_193 = arith.constant 32 : i32
      %mul3A_194 = arith.muli %arg0, %mul3A_193 : i32
      %add3A_195 = arith.addi %mul3A_194, %min3A_152 : i32
      %add3A_196 = arith.constant 0 : i32
      %add3A_197 = arith.addi %add3A_196, %add3A_195 : i32
      %add3A_198 = arith.constant 0 : i32
      %add3A_199 = arith.addi %add3A_198, %mul3A_25 : i32
      %dma_start3A_200 = tpu.memref_slice %arg15[%add3A_199] : memref<525312xf32, #tpu.memory_space<vmem_shared>> -> memref<16384xf32, #tpu.memory_space<vmem_shared>>
      %dma_start3A_201 = tpu.memref_slice %arg2[%add3A_197, %mul3A_25] : memref<128x262144xf32, #tpu.memory_space<hbm>> -> memref<1x16384xf32, #tpu.memory_space<hbm>>
      %dma_start3A_202 = tpu.memref_squeeze %dma_start3A_201 : memref<1x16384xf32, #tpu.memory_space<hbm>> -> memref<16384xf32, #tpu.memory_space<hbm>>
      tpu.enqueue_dma source(%dma_start3A_202 : memref<16384xf32, #tpu.memory_space<hbm>>) target(%dma_start3A_200 : memref<16384xf32, #tpu.memory_space<vmem_shared>>) target_semaphore(%arg17 : memref<!tpu.dma_semaphore, #tpu.memory_space<semaphore_mem>>)
      %add3A_203 = arith.constant 64 : i32
      %add3A_204 = arith.addi %add3A_203, %add3A_195 : i32
      %add3A_205 = arith.constant 262144 : i32
      %add3A_206 = arith.addi %add3A_205, %mul3A_25 : i32
      %dma_start3A_207 = tpu.memref_slice %arg15[%add3A_206] : memref<525312xf32, #tpu.memory_space<vmem_shared>> -> memref<16384xf32, #tpu.memory_space<vmem_shared>>
      %dma_start3A_208 = tpu.memref_slice %arg2[%add3A_204, %mul3A_25] : memref<128x262144xf32, #tpu.memory_space<hbm>> -> memref<1x16384xf32, #tpu.memory_space<hbm>>
      %dma_start3A_209 = tpu.memref_squeeze %dma_start3A_208 : memref<1x16384xf32, #tpu.memory_space<hbm>> -> memref<16384xf32, #tpu.memory_space<hbm>>
      tpu.enqueue_dma source(%dma_start3A_209 : memref<16384xf32, #tpu.memory_space<hbm>>) target(%dma_start3A_207 : memref<16384xf32, #tpu.memory_space<vmem_shared>>) target_semaphore(%arg17 : memref<!tpu.dma_semaphore, #tpu.memory_space<semaphore_mem>>)
    }
    %scan3A_64 = arith.constant 32 : i32
    %mul3A_65 = arith.constant 32 : i32
    %mul3A_66 = arith.muli %arg0, %mul3A_65 : i32
    %add3A_67 = arith.constant 31 : i32
    %add3A_68 = arith.addi %mul3A_66, %add3A_67 : i32
    %add3A_69 = arith.constant 0 : i32
    %add3A_70 = arith.addi %add3A_69, %add3A_68 : i32
    %add3A_71 = arith.constant 0 : i32
    %add3A_72 = arith.addi %add3A_71, %mul3A_25 : i32
    %dma_wait3A = tpu.memref_slice %arg15[%add3A_72] : memref<525312xf32, #tpu.memory_space<vmem_shared>> -> memref<16384xf32, #tpu.memory_space<vmem_shared>>
    %dma_wait3A_73 = tpu.memref_slice %arg2[%add3A_70, %mul3A_25] : memref<128x262144xf32, #tpu.memory_space<hbm>> -> memref<1x16384xf32, #tpu.memory_space<hbm>>
    %dma_wait3A_74 = tpu.memref_squeeze %dma_wait3A_73 : memref<1x16384xf32, #tpu.memory_space<hbm>> -> memref<16384xf32, #tpu.memory_space<hbm>>
    tpu.wait_dma2 semaphore(%arg17 : memref<!tpu.dma_semaphore, #tpu.memory_space<semaphore_mem>>) src(%dma_wait3A_74 : memref<16384xf32, #tpu.memory_space<hbm>>) dst(%dma_wait3A : memref<16384xf32, #tpu.memory_space<vmem_shared>>)
    %add3A_75 = arith.constant 0 : i32
    %add3A_76 = arith.addi %add3A_75, %add3A_68 : i32
    %add3A_77 = arith.constant 0 : i32
    %add3A_78 = arith.addi %add3A_77, %mul3A_25 : i32
    %dma_wait3A_79 = tpu.memref_slice %arg16[%add3A_78] : memref<525312xf32, #tpu.memory_space<vmem_shared>> -> memref<16384xf32, #tpu.memory_space<vmem_shared>>
    %dma_wait3A_80 = tpu.memref_slice %arg3[%add3A_76, %mul3A_25] : memref<128x262144xf32, #tpu.memory_space<hbm>> -> memref<1x16384xf32, #tpu.memory_space<hbm>>
    %dma_wait3A_81 = tpu.memref_squeeze %dma_wait3A_80 : memref<1x16384xf32, #tpu.memory_space<hbm>> -> memref<16384xf32, #tpu.memory_space<hbm>>
    tpu.wait_dma2 semaphore(%arg17 : memref<!tpu.dma_semaphore, #tpu.memory_space<semaphore_mem>>) src(%dma_wait3A_81 : memref<16384xf32, #tpu.memory_space<hbm>>) dst(%dma_wait3A_79 : memref<16384xf32, #tpu.memory_space<vmem_shared>>)
    %add3A_82 = arith.constant 64 : i32
    %add3A_83 = arith.addi %add3A_82, %add3A_68 : i32
    %add3A_84 = arith.constant 262144 : i32
    %add3A_85 = arith.addi %add3A_84, %mul3A_25 : i32
    %dma_wait3A_86 = tpu.memref_slice %arg15[%add3A_85] : memref<525312xf32, #tpu.memory_space<vmem_shared>> -> memref<16384xf32, #tpu.memory_space<vmem_shared>>
    %dma_wait3A_87 = tpu.memref_slice %arg2[%add3A_83, %mul3A_25] : memref<128x262144xf32, #tpu.memory_space<hbm>> -> memref<1x16384xf32, #tpu.memory_space<hbm>>
    %dma_wait3A_88 = tpu.memref_squeeze %dma_wait3A_87 : memref<1x16384xf32, #tpu.memory_space<hbm>> -> memref<16384xf32, #tpu.memory_space<hbm>>
    tpu.wait_dma2 semaphore(%arg17 : memref<!tpu.dma_semaphore, #tpu.memory_space<semaphore_mem>>) src(%dma_wait3A_88 : memref<16384xf32, #tpu.memory_space<hbm>>) dst(%dma_wait3A_86 : memref<16384xf32, #tpu.memory_space<vmem_shared>>)
    %add3A_89 = arith.constant 64 : i32
    %add3A_90 = arith.addi %add3A_89, %add3A_68 : i32
    %add3A_91 = arith.constant 262144 : i32
    %add3A_92 = arith.addi %add3A_91, %mul3A_25 : i32
    %dma_wait3A_93 = tpu.memref_slice %arg16[%add3A_92] : memref<525312xf32, #tpu.memory_space<vmem_shared>> -> memref<16384xf32, #tpu.memory_space<vmem_shared>>
    %dma_wait3A_94 = tpu.memref_slice %arg3[%add3A_90, %mul3A_25] : memref<128x262144xf32, #tpu.memory_space<hbm>> -> memref<1x16384xf32, #tpu.memory_space<hbm>>
    %dma_wait3A_95 = tpu.memref_squeeze %dma_wait3A_94 : memref<1x16384xf32, #tpu.memory_space<hbm>> -> memref<16384xf32, #tpu.memory_space<hbm>>
    tpu.wait_dma2 semaphore(%arg17 : memref<!tpu.dma_semaphore, #tpu.memory_space<semaphore_mem>>) src(%dma_wait3A_95 : memref<16384xf32, #tpu.memory_space<hbm>>) dst(%dma_wait3A_93 : memref<16384xf32, #tpu.memory_space<vmem_shared>>)
    return
  }
}

module attributes {stable_mosaic.version = 14 : i64} {
  func.func @_idx_body(%arg0: memref<1184x128xi32, #tpu.memory_space<vmem>>, %arg1: memref<1184x128xi32, #tpu.memory_space<vmem>>, %arg2: memref<1184x128xi32, #tpu.memory_space<vmem>>, %arg3: memref<1184x128xi32, #tpu.memory_space<vmem>>, %arg4: memref<1184x128xi32, #tpu.memory_space<vmem>>, %arg5: memref<1184x128xi32, #tpu.memory_space<vmem>>, %arg6: memref<1184x128xf32, #tpu.memory_space<vmem>>) attributes {dimension_semantics = [], scalar_prefetch = 0 : i64, scratch_operands = 0 : i64, tpu.core_type = #tpu.core_type<tc>} {
    %get3A = arith.constant 0 : index
    %get3A_0 = arith.constant 0 : index
    %get3A_1 = vector.load %arg0[%get3A, %get3A_0] : memref<1184x128xi32, #tpu.memory_space<vmem>>, vector<1184x128xi32>
    %get3A_2 = arith.constant 0 : index
    %get3A_3 = arith.constant 0 : index
    %get3A_4 = vector.load %arg1[%get3A_2, %get3A_3] : memref<1184x128xi32, #tpu.memory_space<vmem>>, vector<1184x128xi32>
    %get3A_5 = arith.constant 0 : index
    %get3A_6 = arith.constant 0 : index
    %get3A_7 = vector.load %arg2[%get3A_5, %get3A_6] : memref<1184x128xi32, #tpu.memory_space<vmem>>, vector<1184x128xi32>
    %convert_element_type3A = arith.sitofp %get3A_4 : vector<1184x128xi32> to vector<1184x128xf32>
    %mul3A = arith.constant 2.000000e-01 : f32
    %mul3A_8 = vector.broadcast %mul3A : f32 to vector<1184x128xf32>
    %mul3A_9 = arith.mulf %convert_element_type3A, %mul3A_8 : vector<1184x128xf32>
    %add3A = arith.constant -5.120000e+01 : f32
    %add3A_10 = vector.broadcast %add3A : f32 to vector<1184x128xf32>
    %add3A_11 = arith.addf %mul3A_9, %add3A_10 : vector<1184x128xf32>
    %convert_element_type3A_12 = arith.sitofp %get3A_7 : vector<1184x128xi32> to vector<1184x128xf32>
    %mul3A_13 = arith.constant 2.000000e-01 : f32
    %mul3A_14 = vector.broadcast %mul3A_13 : f32 to vector<1184x128xf32>
    %mul3A_15 = arith.mulf %convert_element_type3A_12, %mul3A_14 : vector<1184x128xf32>
    %add3A_16 = arith.constant -5.120000e+01 : f32
    %add3A_17 = vector.broadcast %add3A_16 : f32 to vector<1184x128xf32>
    %add3A_18 = arith.addf %mul3A_15, %add3A_17 : vector<1184x128xf32>
    %mul3A_19 = arith.mulf %add3A_18, %add3A_18 : vector<1184x128xf32>
    %mul3A_20 = arith.mulf %add3A_11, %add3A_11 : vector<1184x128xf32>
    %add3A_21 = arith.addf %mul3A_19, %mul3A_20 : vector<1184x128xf32>
    %sqrt3A = math.sqrt %add3A_21 : vector<1184x128xf32>
    %eq3A = arith.constant 0.000000e+00 : f32
    %eq3A_22 = vector.broadcast %eq3A : f32 to vector<1184x128xf32>
    %eq3A_23 = arith.cmpf oeq, %add3A_18, %eq3A_22 : vector<1184x128xf32>
    %jit3A = arith.constant 1.000000e+00 : f32
    %broadcast_in_dim3A = vector.broadcast %jit3A : f32 to vector<1184x128xf32>
    %select_n3A = arith.select %eq3A_23, %broadcast_in_dim3A, %add3A_18 : vector<1184x128xi1>, vector<1184x128xf32>
    %div3A = arith.divf %add3A_11, %select_n3A : vector<1184x128xf32>
    %broadcast_in_dim3A_24 = arith.constant 1.000000e+00 : f32
    %broadcast_in_dim3A_25 = vector.broadcast %broadcast_in_dim3A_24 : f32 to vector<1184x128xf32>
    %atan23A = math.atan2 %div3A, %broadcast_in_dim3A_25 : vector<1184x128xf32>
    %gt3A = arith.constant 0.000000e+00 : f32
    %gt3A_26 = vector.broadcast %gt3A : f32 to vector<1184x128xf32>
    %gt3A_27 = arith.cmpf ogt, %add3A_18, %gt3A_26 : vector<1184x128xf32>
    %eq3A_28 = arith.constant 0.000000e+00 : f32
    %eq3A_29 = vector.broadcast %eq3A_28 : f32 to vector<1184x128xf32>
    %eq3A_30 = arith.cmpf oeq, %add3A_18, %eq3A_29 : vector<1184x128xf32>
    %ge3A = arith.constant 0.000000e+00 : f32
    %ge3A_31 = vector.broadcast %ge3A : f32 to vector<1184x128xf32>
    %ge3A_32 = arith.cmpf oge, %add3A_11, %ge3A_31 : vector<1184x128xf32>
    %and3A = arith.andi %eq3A_30, %ge3A_32 : vector<1184x128xi1>
    %eq3A_33 = arith.constant 0.000000e+00 : f32
    %eq3A_34 = vector.broadcast %eq3A_33 : f32 to vector<1184x128xf32>
    %eq3A_35 = arith.cmpf oeq, %add3A_18, %eq3A_34 : vector<1184x128xf32>
    %lt3A = arith.constant 0.000000e+00 : f32
    %lt3A_36 = vector.broadcast %lt3A : f32 to vector<1184x128xf32>
    %lt3A_37 = arith.cmpf olt, %add3A_11, %lt3A_36 : vector<1184x128xf32>
    %and3A_38 = arith.andi %eq3A_35, %lt3A_37 : vector<1184x128xi1>
    %ge3A_39 = arith.constant 0.000000e+00 : f32
    %ge3A_40 = vector.broadcast %ge3A_39 : f32 to vector<1184x128xf32>
    %ge3A_41 = arith.cmpf oge, %add3A_11, %ge3A_40 : vector<1184x128xf32>
    %add3A_42 = arith.constant 3.14159274 : f32
    %add3A_43 = vector.broadcast %add3A_42 : f32 to vector<1184x128xf32>
    %add3A_44 = arith.addf %atan23A, %add3A_43 : vector<1184x128xf32>
    %sub3A = arith.constant 3.14159274 : f32
    %sub3A_45 = vector.broadcast %sub3A : f32 to vector<1184x128xf32>
    %sub3A_46 = arith.subf %atan23A, %sub3A_45 : vector<1184x128xf32>
    %select_n3A_47 = arith.select %ge3A_41, %add3A_44, %sub3A_46 : vector<1184x128xi1>, vector<1184x128xf32>
    %jit3A_48 = arith.constant -1.57079637 : f32
    %broadcast_in_dim3A_49 = vector.broadcast %jit3A_48 : f32 to vector<1184x128xf32>
    %select_n3A_50 = arith.select %and3A_38, %broadcast_in_dim3A_49, %select_n3A_47 : vector<1184x128xi1>, vector<1184x128xf32>
    %jit3A_51 = arith.constant 1.57079637 : f32
    %broadcast_in_dim3A_52 = vector.broadcast %jit3A_51 : f32 to vector<1184x128xf32>
    %select_n3A_53 = arith.select %and3A, %broadcast_in_dim3A_52, %select_n3A_50 : vector<1184x128xi1>, vector<1184x128xf32>
    %select_n3A_54 = arith.select %gt3A_27, %atan23A, %select_n3A_53 : vector<1184x128xi1>, vector<1184x128xf32>
    %sub3A_55 = arith.constant 0.000000e+00 : f32
    %sub3A_56 = vector.broadcast %sub3A_55 : f32 to vector<1184x128xf32>
    %sub3A_57 = arith.subf %sqrt3A, %sub3A_56 : vector<1184x128xf32>
    %div3A_58 = arith.constant 1.420000e-01 : f32
    %div3A_59 = vector.broadcast %div3A_58 : f32 to vector<1184x128xf32>
    %div3A_60 = arith.divf %sub3A_57, %div3A_59 : vector<1184x128xf32>
    %sub3A_61 = arith.constant -3.14159274 : f32
    %sub3A_62 = vector.broadcast %sub3A_61 : f32 to vector<1184x128xf32>
    %sub3A_63 = arith.subf %select_n3A_54, %sub3A_62 : vector<1184x128xf32>
    %div3A_64 = arith.constant 1.230000e-02 : f32
    %div3A_65 = vector.broadcast %div3A_64 : f32 to vector<1184x128xf32>
    %div3A_66 = arith.divf %sub3A_63, %div3A_65 : vector<1184x128xf32>
    %convert_element_type3A_67 = arith.fptosi %div3A_60 : vector<1184x128xf32> to vector<1184x128xi32>
    %jit3A_68 = arith.constant 0 : i32
    %jit3A_69 = arith.constant 511 : i32
    %max3A = vector.broadcast %jit3A_68 : i32 to vector<1184x128xi32>
    %max3A_70 = arith.maxsi %max3A, %convert_element_type3A_67 : vector<1184x128xi32>
    %min3A = vector.broadcast %jit3A_69 : i32 to vector<1184x128xi32>
    %min3A_71 = arith.minsi %min3A, %max3A_70 : vector<1184x128xi32>
    %convert_element_type3A_72 = arith.fptosi %div3A_66 : vector<1184x128xf32> to vector<1184x128xi32>
    %jit3A_73 = arith.constant 0 : i32
    %jit3A_74 = arith.constant 511 : i32
    %max3A_75 = vector.broadcast %jit3A_73 : i32 to vector<1184x128xi32>
    %max3A_76 = arith.maxsi %max3A_75, %convert_element_type3A_72 : vector<1184x128xi32>
    %min3A_77 = vector.broadcast %jit3A_74 : i32 to vector<1184x128xi32>
    %min3A_78 = arith.minsi %min3A_77, %max3A_76 : vector<1184x128xi32>
    %iota3A = tpu.iota {dimensions = array<i32: 0>} : vector<1184x128xi32>
    %iota3A_79 = tpu.iota {dimensions = array<i32: 1>} : vector<1184x128xi32>
    %mul3A_80 = arith.constant 128 : i32
    %mul3A_81 = vector.broadcast %mul3A_80 : i32 to vector<1184x128xi32>
    %mul3A_82 = arith.muli %iota3A, %mul3A_81 : vector<1184x128xi32>
    %add3A_83 = arith.addi %mul3A_82, %iota3A_79 : vector<1184x128xi32>
    %and3A_84 = arith.constant 1023 : i32
    %and3A_85 = vector.broadcast %and3A_84 : i32 to vector<1184x128xi32>
    %and3A_86 = arith.andi %add3A_83, %and3A_85 : vector<1184x128xi32>
    %add3A_87 = arith.constant 524288 : i32
    %add3A_88 = vector.broadcast %add3A_87 : i32 to vector<1184x128xi32>
    %add3A_89 = arith.addi %add3A_88, %and3A_86 : vector<1184x128xi32>
    %lt3A_90 = arith.constant 2 : i32
    %lt3A_91 = vector.broadcast %lt3A_90 : i32 to vector<1184x128xi32>
    %lt3A_92 = arith.cmpi slt, %get3A_1, %lt3A_91 : vector<1184x128xi32>
    %mul3A_93 = arith.constant 262144 : i32
    %mul3A_94 = vector.broadcast %mul3A_93 : i32 to vector<1184x128xi32>
    %mul3A_95 = arith.muli %get3A_1, %mul3A_94 : vector<1184x128xi32>
    %mul3A_96 = arith.constant 512 : i32
    %mul3A_97 = vector.broadcast %mul3A_96 : i32 to vector<1184x128xi32>
    %mul3A_98 = arith.muli %min3A_78, %mul3A_97 : vector<1184x128xi32>
    %add3A_99 = arith.addi %mul3A_95, %mul3A_98 : vector<1184x128xi32>
    %add3A_100 = arith.addi %add3A_99, %min3A_71 : vector<1184x128xi32>
    %select_n3A_101 = arith.select %lt3A_92, %add3A_100, %add3A_89 : vector<1184x128xi1>, vector<1184x128xi32>
    %swap3A = arith.constant 0 : index
    %swap3A_102 = arith.constant 0 : index
    %swap3A_103 = vector.load %arg3[%swap3A, %swap3A_102] : memref<1184x128xi32, #tpu.memory_space<vmem>>, vector<1184x128xi32>
    tpu.vector_store %arg3[%swap3A, %swap3A_102], %select_n3A_101 {strides = array<i32>} : memref<1184x128xi32, #tpu.memory_space<vmem>>, vector<1184x128xi32>,
    %mul3A_104 = arith.constant 262144 : i32
    %mul3A_105 = vector.broadcast %mul3A_104 : i32 to vector<1184x128xi32>
    %mul3A_106 = arith.muli %get3A_1, %mul3A_105 : vector<1184x128xi32>
    %mul3A_107 = arith.constant 512 : i32
    %mul3A_108 = vector.broadcast %mul3A_107 : i32 to vector<1184x128xi32>
    %mul3A_109 = arith.muli %get3A_4, %mul3A_108 : vector<1184x128xi32>
    %add3A_110 = arith.addi %mul3A_106, %mul3A_109 : vector<1184x128xi32>
    %add3A_111 = arith.addi %add3A_110, %get3A_7 : vector<1184x128xi32>
    %select_n3A_112 = arith.select %lt3A_92, %add3A_111, %add3A_89 : vector<1184x128xi1>, vector<1184x128xi32>
    %swap3A_113 = arith.constant 0 : index
    %swap3A_114 = arith.constant 0 : index
    %swap3A_115 = vector.load %arg4[%swap3A_113, %swap3A_114] : memref<1184x128xi32, #tpu.memory_space<vmem>>, vector<1184x128xi32>
    tpu.vector_store %arg4[%swap3A_113, %swap3A_114], %select_n3A_112 {strides = array<i32>} : memref<1184x128xi32, #tpu.memory_space<vmem>>, vector<1184x128xi32>,
    %swap3A_116 = arith.constant 0 : index
    %swap3A_117 = arith.constant 0 : index
    %swap3A_118 = vector.load %arg5[%swap3A_116, %swap3A_117] : memref<1184x128xi32, #tpu.memory_space<vmem>>, vector<1184x128xi32>
    tpu.vector_store %arg5[%swap3A_116, %swap3A_117], %add3A_89 {strides = array<i32>} : memref<1184x128xi32, #tpu.memory_space<vmem>>, vector<1184x128xi32>,
    %bitcast_convert_type3A = tpu.bitcast %add3A_83 : vector<1184x128xi32> -> vector<1184x128xf32>
    %swap3A_119 = arith.constant 0 : index
    %swap3A_120 = arith.constant 0 : index
    %swap3A_121 = vector.load %arg6[%swap3A_119, %swap3A_120] : memref<1184x128xf32, #tpu.memory_space<vmem>>, vector<1184x128xf32>
    tpu.vector_store %arg6[%swap3A_119, %swap3A_120], %bitcast_convert_type3A {strides = array<i32>} : memref<1184x128xf32, #tpu.memory_space<vmem>>, vector<1184x128xf32>,
    return
  }
}

</mosaic_0001>

<sc_bundles>
// kernel: kernel.4.cloned.1.call-start
scs
__scs_entry_jumppad:
0x0: {  	(pc) =	sbr.rel $0x88, $3  }
0x1: {  	(tag) =	ssettag $0x0;
	lr =	simm.s32 $0x1  }
0x2: {  	[smem:$0x3F9E] =	sst lr;
	_ =	strace $0xD0000000  }
0x3: {  	_ = 	snop  }
0x4: {  	_ = 	snop  }
0x5: {  	_ = 	snop  }
0x6: {  	_ = 	snop  }
0x7: {  	_ = 	snop  }
__scs_overlays_trampoline_lowered:
0x8: {  	[smem:$0x3FAD] =	sst s0  }
0x9: {  	[smem:$0x3FAE] =	sst s1  }
0xa: {  	[smem:$0x3FAF] =	sst s2  }
0xb: {  	[smem:$0x3FB0] =	sst s3  }
0xc: {  	[smem:$0x3FB1] =	sst s4  }
0xd: {  	[smem:$0x3FB2] =	sst s5  }
0xe: {  	[smem:$0x3FB3] =	sst s6  }
0xf: {  	[smem:$0x3FB4] =	sst s7  }
0x10: {  	[smem:$0x3FB5] =	sst s8  }
0x11: {  	[smem:$0x3FB6] =	sst s9;
	s0 =	simm.s32 @!p0 $0x0  }
0x12: {  	s1 =	sld [smem:$0x3F9C];
	s0 =	simm.s32 @p0 $0x1  }
0x13: {  	[smem:$0x3FB7] =	sst s0;
	s0 =	simm.s32 @!p1 $0x0  }
0x14: {  	s2 =	sld [smem:$0x3F9B];
	s0 =	simm.s32 @p1 $0x1  }
0x15: {  	[smem:$0x3FB8] =	sst s0;
	s0 =	simm.s32 @!p2 $0x0  }
0x16: {  	s3 =	sld [smem:$0x3FDB];
	s0 =	simm.s32 @p2 $0x1  }
0x17: {  	s4 =	simm.s32 $0x1BF5;
	[smem:$0x3FBA] =	sst s0  }
0x18: {  	s0 =	sld [smem:$0x3F9D];
	_ =	swait.ge [sflag:s4], $0x0  }
0x19: {  	s7 =	sld [smem:$0x3F9E]  }
0x1a: {  	s8 =	sadd.s32 $0xFFFFE003, lr  }
0x1b: {  	s9 =	sadd.s32 $0xFFFFFEF7, lr;
	s5 =	simm.s32 $0xFFFFFFFF;
	p2 =	slt.u32 s8, $0xFFFFF086  }
0x1c: {  	p1 =	slt.u32 s9, $0xF7A;
	s5 =	simm.s32 @!p2 $0x0  }
0x1d: {  	s5 =	simm.s32 @p1 $0x1;
	p0 =	seq.s32 s7, s2  }
0x1e: {  	s7 =	smul.u32 @!p0 $0xF7A, s2;
	p2 =	seq.s32 @!p0 s5, $0x0  }
0x1f: {  	s9 =	smul.u32 $0xF7A, s1;
	s8 =	simm.s32 @!p0 $0x1BF5;
	p2 =	por !p2, p0  }
0x20: {  	[sflag:s8] =	ssyncset.s32 @!p0 $0xFFFFF086;
	s6 =	sadd.s32 @!p0 s3, s7;
	s7 =	simm.s32 @!p0 $0x108  }
0x21: {  	s3 =	sadd.s32 s3, s9;
	s6 =	sadd.s32 @!p0 $0x88, s6;
	s7 =	simm.s32 @p2 $0x1082  }
0x22: {  	[simem:s7], [sflag:s8] =	dma.local @!p0 [hbm:s6], $0xF7A  }
0x23: {  	s9 =	sor.u32 $0xD0000000, s2;
	s6 =	simm.s32 $0x108;
	_ =	swait.ge @!p0 [sflag:s8], $0x0  }
0x24: {  	s3 =	sadd.s32 $0x88, s3;
	s6 =	simm.s32 @!p1 $0x1082;
	[sflag:s4] =	ssyncset.s32 $0xFFFFF086  }
0x25: {  	[simem:s6], [sflag:s4] =	dma.local [hbm:s3], $0xF7A  }
0x26: {  	[smem:$0x3F9E] =	sst s1;
	(tag) =	ssettag s2;
	_ =	strace s9  }
0x27: {  	s1 =	sld [smem:$0x3FAE]  }
0x28: {  	s2 =	sld [smem:$0x3FAF]  }
0x29: {  	s4 =	sld [smem:$0x3FB1]  }
0x2a: {  	p0 =	seq.s32 s5, $0x0;
	s5 =	sld [smem:$0x3FB2]  }
0x2b: {  	s6 =	sld [smem:$0x3FB3]  }
0x2c: {  	s7 =	sld [smem:$0x3FB4]  }
0x2d: {  	s3 =	simm.s32 $0x108;
	s8 =	sld [smem:$0x3FB5]  }
0x2e: {  	s3 =	simm.s32 @!p0 $0x1082;
	s9 =	sld [smem:$0x3FB6]  }
0x2f: {  	lr =	sadd.s32 s0, s3;
	s0 =	sld [smem:$0x3FAD]  }
0x30: {  	s3 =	sld [smem:$0x3FB0]  }
0x31: {  	[smem:$0x3FB9] =	sst s10  }
0x32: {  	s10 =	sld [smem:$0x3FB7];
	_ =	sdelay $0x3  }
0x33: {  	p0 =	seq.s32 s10, $0x1;
	s10 =	sld [smem:$0x3FB9];
	_ =	sdelay $0x3  }
0x34: {  	[smem:$0x3FB9] =	sst s10  }
0x35: {  	s10 =	sld [smem:$0x3FB8];
	_ =	sdelay $0x3  }
0x36: {  	p1 =	seq.s32 s10, $0x1;
	s10 =	sld [smem:$0x3FB9];
	_ =	sdelay $0x3  }
0x37: {  	[smem:$0x3FB9] =	sst s10  }
0x38: {  	s10 =	sld [smem:$0x3FBA]  }
0x39: {  	_ = 	snop;
	(pc) =	sbr.ind lr, $3  }
0x3a: {  	_ = 	snop  }
0x3b: {  	_ = 	snop  }
0x3c: {  	p2 =	seq.s32 s10, $0x1;
	s10 =	sld [smem:$0x3FB9]  }
0x3d: {  	_ =	shalt  }
0x3e: {  	_ =	shalt  }
0x3f: {  	_ =	shalt  }
0x40: {  	_ =	shalt  }
0x41: {  	_ =	shalt  }
0x42: {  	_ =	shalt  }
0x43: {  	_ =	shalt  }
0x44: {  	_ =	shalt  }
0x45: {  	_ =	shalt  }
0x46: {  	_ =	shalt  }
0x47: {  	_ =	shalt  }
0x48: {  	_ =	shalt  }
0x49: {  	_ =	shalt  }
0x4a: {  	_ =	shalt  }
0x4b: {  	_ =	shalt  }
0x4c: {  	_ =	shalt  }
0x4d: {  	_ =	shalt  }
0x4e: {  	_ =	shalt  }
0x4f: {  	_ =	shalt  }
0x50: {  	_ =	shalt  }
0x51: {  	_ =	shalt  }
0x52: {  	_ =	shalt  }
0x53: {  	_ =	shalt  }
0x54: {  	_ =	shalt  }
0x55: {  	_ =	shalt  }
0x56: {  	_ =	shalt  }
0x57: {  	_ =	shalt  }
0x58: {  	_ =	shalt  }
0x59: {  	_ =	shalt  }
0x5a: {  	_ =	shalt  }
0x5b: {  	_ =	shalt  }
0x5c: {  	_ =	shalt  }
0x5d: {  	_ =	shalt  }
0x5e: {  	_ =	shalt  }
0x5f: {  	_ =	shalt  }
0x60: {  	_ =	shalt  }
0x61: {  	_ =	shalt  }
0x62: {  	_ =	shalt  }
0x63: {  	_ =	shalt  }
0x64: {  	_ =	shalt  }
0x65: {  	_ =	shalt  }
0x66: {  	_ =	shalt  }
0x67: {  	_ =	shalt  }
0x68: {  	_ =	shalt  }
0x69: {  	_ =	shalt  }
0x6a: {  	_ =	shalt  }
0x6b: {  	_ =	shalt  }
0x6c: {  	_ =	shalt  }
0x6d: {  	_ =	shalt  }
0x6e: {  	_ =	shalt  }
0x6f: {  	_ =	shalt  }
0x70: {  	_ =	shalt  }
0x71: {  	_ =	shalt  }
0x72: {  	_ =	shalt  }
0x73: {  	_ =	shalt  }
0x74: {  	_ =	shalt  }
0x75: {  	_ =	shalt  }
0x76: {  	_ =	shalt  }
0x77: {  	_ =	shalt  }
0x78: {  	_ =	shalt  }
0x79: {  	_ =	shalt  }
0x7a: {  	_ =	shalt  }
0x7b: {  	_ =	shalt  }
0x7c: {  	_ =	shalt  }
0x7d: {  	_ =	shalt  }
0x7e: {  	_ =	shalt  }
0x7f: {  	_ =	shalt  }
0x80: {  	_ =	shalt  }
0x81: {  	_ =	shalt  }
0x82: {  	_ =	shalt  }
0x83: {  	_ =	shalt  }
0x84: {  	_ =	shalt  }
0x85: {  	_ =	shalt  }
0x86: {  	_ =	shalt  }
0x87: {  	_ =	shalt  }
.Lfunc_end0:
.L_simem_size_0:
called_computation.3_lowered:
.L_overlay_start_0:
0x88: {  	s2 =	sld [smem:$0x3FD9]  }
0x89: {  	s3 =	sld [smem:$0x3FFE];
	_ =	sdelay $0x1  }
0x8a: {  	s1 =	srdreg.scid  }
0x8b: {  	s0 =	sand.u32 $0x1, s1  }
0x8c: {  	s17 =	sshll.u32 s0, $0xA;
	s2 =	sadd.s32 s3, s2  }
0x8d: {  	s2 =	sadd.s32 s2, s17  }
0x8e: {  	[smem:$0x3FC5] =	sst s2  }
0x8f: {  	_ = 	snop  }
0x90: {  	s2 =	sld [smem:$0x3FD0];
	(tm) =	ssettm $0x1  }
0x91: {  	s18 =	sld [smem:$0x3FFB];
	_ =	sdelay $0x3  }
0x92: {  	_ =	strace s18  }
0x93: {  	s3 =	sld [smem:$0x3FFC];
	_ =	sdelay $0x3  }
0x94: {  	_ =	strace s3  }
0x95: {  	s3 =	sld [smem:$0x3FFD];
	_ =	sdelay $0x3  }
0x96: {  	_ =	strace s3  }
0x97: {  	_ =	strace $0x8FFFFFFF  }
0x98: {  	s19 =	sld [smem:$0x3FDB];
	_ =	sdelay $0x1  }
0x99: {  	s4 =	simm.s32 $_scs_section_size  }
0x9a: {  	s5 =	simm.s32 $_size__tile_overlayer_lowered;
	s6 =	simm.s32 $_tile_overlayer_lowered  }
0x9b: {  	s22 =	simm.s32 $0x1BFF;
	s21 =	sshll.u32 s6, $0x1;
	s3 =	sadd.s32 s4, s19  }
0x9c: {  	s7 =	simm.s32 $0x0;
	s20 =	sshll.u32 s5, $0x1;
	s5 =	sadd.s32 s21, s3  }
0x9d: {  	[timem:s7], [sflag:s22] =	dma.local [hbm:s5], s20  }
0x9e: {  	_ =	swait.ge [sflag:s22], s20  }
0x9f: {  	s4 =	ssub.s32 $0x0, s20;
	[sflag:s22] =	ssyncset.done $0x0  }
0xa0: {  	[sflag:s22] =	ssyncadd.s32 s4;
	_ =	sdelay $0x1  }
0xa1: {  	s23 =	simm.s32 $0x1B8B  }
0xa2: {  	_ =	swait.ge [sflag:s23], $0x1  }
0xa3: {  	[sflag:s23] =	ssyncset.done $0x0  }
0xa4: {  	s25 =	simm.s32 $0x1B8E;
	s24 =	sld [smem:$0x3FFE];
	[sflag:s23] =	ssyncadd.s32 $0xFFFFFFFF  }
0xa5: {  	s26 =	simm.s32 $execute0_lowered;
	[smem:$0x3FD2] =	sst s25  }
0xa6: {  	s5 =	sshll.u32 s26, $0x1;
	_ =	strace $0x8000004C;
	[dreg:$0x1] =	wrdreg $0xFFFFFFFF  }
0xa7: {  	s28 =	simm.s32 $_size_execute0_lowered;
	s3 =	sadd.s32 s3, s5;
	[dreg:$0x0] =	wrdreg $0x0  }
0xa8: {  	s5 =	sshll.u32 s28, $0x1;
	[dreg:$0x2] =	wrdreg s3  }
0xa9: {  	[dreg:$0x3] =	wrdreg s5  }
0xaa: {  	[dreg:$0x4] =	wrdreg $0xC0  }
0xab: {  	_ =	task [dreg:s7], $0x5FFFF  }
0xac: {  	[dreg:$0x1] =	wrdreg $0xFFFFFFFF  }
0xad: {  	[dreg:$0x0] =	wrdreg $0x60  }
0xae: {  	[dreg:$0x2] =	wrdreg s24  }
0xaf: {  	[dreg:$0x3] =	wrdreg s2  }
0xb0: {  	[dreg:$0x4] =	wrdreg $0x170400  }
0xb1: {  	[dreg:$0x5] =	wrdreg $0xF0000  }
0xb2: {  	[dreg:$0x6] =	wrdreg $0x9  }
0xb3: {  	_ =	task.clear_ibuf [dreg:s7], $0x7FFFF;
	_ =	strace $0x9000004C  }
0xb4: {  	s29 =	simm.s32 $0x9;
	_ =	strace $0x8000004E  }
0xb5: {  	_ =	swait.ge [sflag:s29], $0x1  }
0xb6: {  	[sflag:s29] =	ssyncadd.s32 $0xFFFFFFFF  }
0xb7: {  	_ =	strace $0x9000004E  }
0xb8: {  	_ =	sfence  }
0xb9: {  	s30 =	sld [smem:$0x0];
	_ =	sdelay $0x2  }
0xba: {  	s31 =	sshll.u32 s1, $0xD;
	s1 =	sshrl.u32 s1, $0x2  }
0xbb: {  	s3 =	sand.u32 $0x4000, s31;
	s1 =	sadd.s32 s1, s30  }
0xbc: {  	s0 =	sor.u32 s3, s0;
	s1 =	sshll.u32 s1, $0x11  }
0xbd: {  	s0 =	sor.u32 s1, s0  }
0xbe: {  	s0 =	sadd.s32 $0x8F2B, s0  }
0xbf: {  	[sflag:s0] =	ssyncadd.remote.s32 $0x1  }
0xc0: {  	_ =	sfence.sel $0xFFFF  }
0xc1: {  	[dreg:$0x0] =	wrdreg $0xFFFFFFFF;
	(pc) =	sbr.abs _section_cstart, $3  }
0xc2: {  	[dreg:$0x1] =	wrdreg $0xFFFFFFFF  }
0xc3: {  	_ =	task.clear_ibuf [dreg:s7], $0x2FFFF;
	_ =	strace $0x9FFFFFFF  }
0xc4: {  	(tm) =	ssettm $0x7FFFFFFF  }
0xc5: {  	_ =	shalt  }
tec
execute0_lowered:
.L_overlay_start_1:
0x0: {  	(tag) =	ssettag $0x1  }
0x1: {  	s0 =	rddreg [dreg:$0x0]  }
0x2: {  	s1 =	rddreg [dreg:$0x1]  }
0x3: {  	s3 =	rddreg [dreg:$0x2]  }
0x4: {  	s4 =	rddreg [dreg:$0x3];
	s5 =	simm.s32 $0x0  }
0x5: {  	s12 =	stileid.u32;
	s2 =	srdreg.scid;
	s29 =	simm.s32 $0x80  }
0x6: {  	s30 =	simm.s32 $0x2;
	s31 =	simm.s32 $0x1;
	[smem:$0x7FF] =	sst s5  }
0x7: {  	s7 =	smul.u32 $0x500, s12;
	s2 =	sand.u32 $0x1, s2;
	s6 =	sadd.s32 $0x1600, s0  }
0x8: {  	s11 =	sshll.u32 s12, $0x11;
	s22 =	sshll.u32 s12, $0xE;
	_ =	strace $0x8000004D  }
0x9: {  	s8 =	ssub.s32 $0x2, s2;
	s23 =	sadd.s32 s22, s4;
	s25 =	sor.u32 $0x40000, s22  }
0xa: {  	s9 =	sadd.s32 s7, s0;
	[dreg:$0x9] =	wrdreg s23;
	s14 =	sadd.s32 s25, s4  }
0xb: {  	s21 =	sshll.u32 s2, $0x17;
	s18 =	sadd.s32 $0x401600, s9;
	[dreg:$0xb] =	wrdreg s14  }
0xc: {  	s13 =	sshll.u32 s2, $0x5;
	s19 =	sadd.s32 $0x406600, s9;
	[dreg:$0x5] =	wrdreg s18  }
0xd: {  	s7 =	sadd.s32 $0x415600, s0;
	s20 =	sadd.s32 $0x40B600, s9;
	[dreg:$0x6] =	wrdreg s19  }
0xe: {  	s10 =	sshrl.u32 s8, $0x1;
	s9 =	sadd.s32 $0x410600, s9;
	[dreg:$0x7] =	wrdreg s20  }
0xf: {  	s8 =	ssub.s32 s8, s10;
	s10 =	sor.u32 s11, s21;
	[dreg:$0x8] =	wrdreg s9  }
0x10: {  	s24 =	sshrl.u32 s10, $0x3;
	s9 =	sadd.s32 s22, s3;
	s20 =	sadd.s32 s25, s3  }
0x11: {  	s22 =	sadd.s32 $0x615600, s0;
	s23 =	smax.u32 s8, $0x1;
	s0 =	simm.s32 $0x10  }
0x12: {  	s25 =	simm.s32 $0x0;
	s10 =	sadd.s32 s6, s24;
	[dreg:$0xd] =	wrdreg s9  }
0x13: {  	s26 =	sor.u32 $0x200000, s24;
	s2 =	sadd.s32 s1, s24;
	[dreg:$0xa] =	wrdreg s10  }
0x14: {  	s24 =	simm.s32 $0x4;
	s28 =	sadd.s32 s6, s26;
	[dreg:$0xe] =	wrdreg s2  }
0x15: {  	s21 =	sadd.s32 s1, s26;
	s2 =	simm.s32 $0x3;
	[dreg:$0xc] =	wrdreg s28  }
.LBB2_1:
0x16: {  	s8 =	rddreg [dreg:$0x5]  }
0x17: {  	[tilespmem:s5], [sflag:$0x4] =	stream.linear.gather [hbm4b:s8+s5], $0x2500, $0x38;
	[tilespmem:$0x1F080] =	vst v63  }
0x18: {  	_ =	swait.ge [sflag:s24], $0x2500  }
0x19: {  	[sflag:s24] =	ssyncset.done $0x0  }
0x1a: {  	s9 =	simm.s32 $0x2800;
	s17 =	rddreg [dreg:$0x6];
	[sflag:s24] =	ssyncadd.s32 $0xFFFFDB00  }
0x1b: {  	[tilespmem:s9], [sflag:$0x4] =	stream.linear.gather [hbm4b:s17+s5], $0x2500, $0x38;
	[tilespmem:$0x1F080] =	vst v63  }
0x1c: {  	_ =	swait.ge [sflag:s24], $0x2500  }
0x1d: {  	[sflag:s24] =	ssyncset.done $0x0  }
0x1e: {  	s19 =	simm.s32 $0x5000;
	s18 =	rddreg [dreg:$0x7];
	[sflag:s24] =	ssyncadd.s32 $0xFFFFDB00  }
0x1f: {  	[tilespmem:s19], [sflag:$0x4] =	stream.linear.gather [hbm4b:s18+s5], $0x2500, $0x38;
	[tilespmem:$0x1F080] =	vst v63  }
0x20: {  	_ =	swait.ge [sflag:s24], $0x2500  }
0x21: {  	[sflag:s24] =	ssyncset.done $0x0  }
0x22: {  	s28 =	simm.s32 $0x7800;
	s26 =	rddreg [dreg:$0x8];
	[sflag:s24] =	ssyncadd.s32 $0xFFFFDB00  }
0x23: {  	[tilespmem:s28], [sflag:$0x4] =	stream.linear.gather [hbm4b:s26+s5], $0x2500, $0x38;
	[tilespmem:$0x1F080] =	vst v63  }
0x24: {  	_ =	swait.ge [sflag:s24], $0x2500  }
0x25: {  	[sflag:s24] =	ssyncset.done $0x0  }
0x26: {  	s8 =	simm.s32 $0x0;
	[sflag:s24] =	ssyncadd.s32 $0xFFFFDB00  }
.LBB2_2:
0x27: {  	p0 =	sne.s32 s8, $0x9200  }
.Ltmp0:
0x28: {  	_ = 	snop;
	(pc) =	sbr.rel @p0 .LBB2_2-.Ltmp0, $4  }
0x29: {  	_ = 	snop  }
0x2a: {  	s9 =	sshra.s32 s8, $0x2  }
0x2b: {  	s8 =	sadd.s32 $0x200, s8;
	s10 =	sadd.s32 $0x7800, s9;
	s9 =	sadd.s32 $0x2800, s9  }
0x2c: {  	[spmem:s3] =	stream.indirect.scatter [tilespmem:s10], [sflag:$0x2], $0x1, s9, s29, $0xb8;
	[tilespmem:$0x1F080] =	vst v63  }
0x2d: {  	_ =	swait.ge [sflag:s30], $0x80  }
0x2e: {  	s8 =	simm.s32 $0x49;
	[sflag:s30] =	ssyncset.done $0x0  }
.LBB2_4:
0x2f: {  	p0 =	sne.s32 s8, $0x1;
	s8 =	sadd.s32 $0xFFFFFFFF, s8;
	[sflag:s30] =	ssyncadd.s32 $0xFFFFFF80  }
.Ltmp1:
0x30: {  	(pc) =	sbr.rel @p0 .LBB2_4-.Ltmp1, $3  }
0x31: {  	_ =	sdelay $0x1  }
0x32: {  	_ =	swait.ge [sflag:s30], $0x80  }
0x33: {  	[sflag:s30] =	ssyncset.done $0x0  }
0x34: {  	[sflag:s30] =	ssyncadd.s32 $0xFFFFFF80  }
0x35: {  	s8 =	simm.s32 $0x0;
	[bflag:$0x0] =	sbarrier.arrive $0xFFFF  }
.LBB2_6:
0x36: {  	p0 =	sne.s32 s8, $0x9200  }
.Ltmp2:
0x37: {  	_ = 	snop;
	(pc) =	sbr.rel @p0 .LBB2_6-.Ltmp2, $4  }
0x38: {  	_ = 	snop  }
0x39: {  	s9 =	sshra.s32 s8, $0x2  }
0x3a: {  	s8 =	sadd.s32 $0x200, s8;
	s10 =	sadd.s32 $0xC800, s9;
	s9 =	sadd.s32 $0x2800, s9  }
0x3b: {  	[tilespmem:s10], [sflag:$0x2] =	stream.indirect.gather [spmem:s3], $0x1, s9, s29, $0xb8;
	[tilespmem:$0x1F080] =	vst v63  }
0x3c: {  	s8 =	simm.s32 $0x4A  }
.LBB2_8:
0x3d: {  	p0 =	sne.s32 s8, $0x1  }
.Ltmp3:
0x3e: {  	_ = 	snop;
	(pc) =	sbr.rel @p0 .LBB2_8-.Ltmp3, $4  }
0x3f: {  	_ = 	snop  }
0x40: {  	_ =	swait.ge [sflag:s30], $0x80  }
0x41: {  	[sflag:s30] =	ssyncset.done $0x0  }
0x42: {  	s8 =	sadd.s32 $0xFFFFFFFF, s8;
	[sflag:s30] =	ssyncadd.s32 $0xFFFFFF80  }
0x43: {  	s8 =	simm.s32 $0x0  }
0x44: {  	v0 =	vld [tilespmem:s8+$0x2800]  }
0x45: {  	v1 =	vld [tilespmem:s8+$0xC800]  }
0x46: {  	v2 =	vld [tilespmem:s8+$0x7800]  }
0x47: {  	s9 =	simm.s32 $0x40;
	v3 =	vld [tilespmem:s8+$0x5000]  }
.LBB2_10:
0x48: {  	p0 =	sne.s32 s9, $0x93C0  }
.Ltmp4:
0x49: {  	s10 =	sshra.s32 s9, $0x2;
	v4 =	vmov v0;
	(pc) =	sbr.rel @p0 .LBB2_10-.Ltmp4, $4  }
0x4a: {  	v0 =	vld [tilespmem:s10+$0x2800]  }
0x4b: {  	s9 =	sadd.s32 $0x40, s9;
	vm0 =	veq.s32 v1, v2;
	v1 =	vld [tilespmem:s10+$0xC800]  }
0x4c: {  	v2 =	vld [tilespmem:s10+$0x7800];
	v4 =	vsel vm0, v4, v3  }
0x4d: {  	v3 =	vld [tilespmem:s10+$0x5000];
	[tilespmem:s8+$0xA000] =	vst v4;
	s8 =	smov.u32 s10  }
0x4e: {  	_ =	sdelay $0x2  }
0x4f: {  	vm0 =	veq.s32 v1, v2  }
0x50: {  	v0 =	vsel vm0, v0, v3  }
0x51: {  	[tilespmem:s8+$0xA000] =	vst v0  }
0x52: {  	s18 =	stileid.u32;
	[bflag:$0x0] =	sbarrier.arrive $0xFFFF  }
0x53: {  	s26 =	sshll.u32 s18, $0x6;
	s19 =	rddreg [dreg:$0x9]  }
0x54: {  	s28 =	sor.u32 $0x1C01, s26;
	s9 =	rddreg [dreg:$0xa];
	s8 =	sshrl.u32 s19, $0x3  }
0x55: {  	[spmem:s8@s0], [sflag:s28] =	dma.strided [hbm:s9@s29], $0x800, s31, $0x10   }
0x56: {  	s9 =	rddreg [dreg:$0xb]  }
0x57: {  	s10 =	rddreg [dreg:$0xc];
	s9 =	sshrl.u32 s9, $0x3  }
0x58: {  	[spmem:s9@s0], [sflag:s28] =	dma.strided [hbm:s10@s29], $0x800, s31, $0x10   }
0x59: {  	s10 =	rddreg [dreg:$0xd]  }
0x5a: {  	s12 =	rddreg [dreg:$0xe];
	s10 =	sshrl.u32 s10, $0x3  }
0x5b: {  	[spmem:s10@s0], [sflag:s28] =	dma.strided [hbm:s12@s29], $0x800, s31, $0x10   }
0x5c: {  	s14 =	simm.s32 $0x0;
	s12 =	sshrl.u32 s20, $0x3  }
0x5d: {  	[spmem:s12@s0], [sflag:s28] =	dma.strided [hbm:s21@s29], $0x800, s31, $0x10   }
.LBB2_12:
0x5e: {  	_ =	swait.ge [sflag:s31], $0x800  }
0x5f: {  	[sflag:s31] =	ssyncset.done $0x0  }
0x60: {  	[sflag:s31] =	ssyncadd.s32 $0xFFFFF800  }
0x61: {  	_ =	swait.ge [sflag:s31], $0x800  }
0x62: {  	[sflag:s31] =	ssyncset.done $0x0  }
0x63: {  	[sflag:s31] =	ssyncadd.s32 $0xFFFFF800  }
0x64: {  	_ =	swait.ge [sflag:s31], $0x800  }
0x65: {  	[sflag:s31] =	ssyncset.done $0x0  }
0x66: {  	[sflag:s31] =	ssyncadd.s32 $0xFFFFF800  }
0x67: {  	_ =	swait.ge [sflag:s31], $0x800  }
0x68: {  	[sflag:s31] =	ssyncset.done $0x0  }
0x69: {  	[sflag:s31] =	ssyncadd.s32 $0xFFFFF800  }
0x6a: {  	s15 =	simm.s32 $0x0;
	[bflag:$0x0] =	sbarrier.arrive $0xFFFF  }
.LBB2_13:
0x6b: {  	p0 =	sne.s32 s15, $0x9200  }
.Ltmp5:
0x6c: {  	_ = 	snop;
	(pc) =	sbr.rel @p0 .LBB2_13-.Ltmp5, $4  }
0x6d: {  	_ = 	snop  }
0x6e: {  	s16 =	sshra.s32 s15, $0x2  }
0x6f: {  	s15 =	sadd.s32 $0x200, s15;
	s17 =	sadd.s32 $0xC800, s16  }
0x70: {  	[tilespmem:s17], [sflag:$0x2] =	stream.indirect.gather [spmem:s3], $0x1, s16, s29, $0xb8;
	[tilespmem:$0x1F080] =	vst v63  }
0x71: {  	s15 =	simm.s32 $0x4A  }
.LBB2_15:
0x72: {  	p0 =	sne.s32 s15, $0x1  }
.Ltmp6:
0x73: {  	_ = 	snop;
	(pc) =	sbr.rel @p0 .LBB2_15-.Ltmp6, $4  }
0x74: {  	_ = 	snop  }
0x75: {  	_ =	swait.ge [sflag:s30], $0x80  }
0x76: {  	[sflag:s30] =	ssyncset.done $0x0  }
0x77: {  	s15 =	sadd.s32 $0xFFFFFFFF, s15;
	[sflag:s30] =	ssyncadd.s32 $0xFFFFFF80  }
0x78: {  	s15 =	simm.s32 $0x0  }
.LBB2_17:
0x79: {  	p0 =	sne.s32 s15, $0x9200  }
.Ltmp7:
0x7a: {  	_ = 	snop;
	(pc) =	sbr.rel @p0 .LBB2_17-.Ltmp7, $4  }
0x7b: {  	_ = 	snop  }
0x7c: {  	s16 =	sshra.s32 s15, $0x2  }
0x7d: {  	s15 =	sadd.s32 $0x200, s15;
	s17 =	sadd.s32 $0xC800, s16;
	s16 =	sadd.s32 $0xA000, s16  }
0x7e: {  	[spmem:s4] =	stream.indirect.scatter.add.f32 [tilespmem:s17], [sflag:$0x2], $0x1, s16, s29, $0xb8;
	[tilespmem:$0x1F080] =	vst v63  }
0x7f: {  	_ =	swait.ge [sflag:s30], $0x80  }
0x80: {  	s15 =	simm.s32 $0x49;
	[sflag:s30] =	ssyncset.done $0x0  }
.LBB2_19:
0x81: {  	p0 =	sne.s32 s15, $0x1;
	s15 =	sadd.s32 $0xFFFFFFFF, s15;
	[sflag:s30] =	ssyncadd.s32 $0xFFFFFF80  }
.Ltmp8:
0x82: {  	(pc) =	sbr.rel @p0 .LBB2_19-.Ltmp8, $3  }
0x83: {  	_ =	sdelay $0x1  }
0x84: {  	_ =	swait.ge [sflag:s30], $0x80  }
0x85: {  	[sflag:s30] =	ssyncset.done $0x0  }
0x86: {  	s15 =	sadd.s32 s13, s14;
	s16 =	sshll.u32 s14, $0x7;
	s14 =	sadd.s32 $0x1, s14  }
0x87: {  	p0 =	slt.s32 s14, $0x1F;
	s17 =	smov.u32 s14  }
0x88: {  	s17 =	simm.s32 @!p0 $0x1F  }
0x89: {  	s18 =	sor.u32 s13, s17  }
0x8a: {  	s17 =	sshll.u32 s17, $0x7;
	s18 =	sshll.u32 s18, $0x12  }
0x8b: {  	s17 =	sand.u32 $0x380, s17;
	s18 =	sand.u32 $0xE00000, s18  }
0x8c: {  	[sflag:s30] =	ssyncadd.s32 $0xFFFFFF80;
	s15 =	sshll.u32 s15, $0x12;
	s17 =	sor.u32 s18, s17  }
0x8d: {  	s16 =	sand.u32 $0x380, s16;
	s15 =	sand.u32 $0xE00000, s15;
	s17 =	sor.u32 s11, s17  }
0x8e: {  	[bflag:$0x0] =	sbarrier.arrive $0xFFFF;
	s15 =	sor.u32 s15, s16;
	s17 =	sshrl.u32 s17, $0x3  }
0x8f: {  	s15 =	sor.u32 s11, s15;
	s19 =	sadd.s32 s1, s17;
	s16 =	sor.u32 $0x200000, s17  }
0x90: {  	[spmem:s10@s0], [sflag:s28] =	dma.strided [hbm:s19@s29], $0x800, s31, $0x10   }
0x91: {  	s15 =	sshrl.u32 s15, $0x3;
	s19 =	sadd.s32 s1, s16  }
0x92: {  	[spmem:s12@s0], [sflag:s28] =	dma.strided [hbm:s19@s29], $0x800, s31, $0x10   }
0x93: {  	s18 =	sadd.s32 s7, s15;
	s15 =	sadd.s32 s15, s22;
	s19 =	sor.u32 $0x1C03, s26  }
0x94: {  	[hbm:s18@s29], [sflag:s19] =	dma.strided [spmem:s8@s0], $0x800, s31, $0x10   }
0x95: {  	[hbm:s15@s29], [sflag:s19] =	dma.strided [spmem:s9@s0], $0x800, s31, $0x10   }
0x96: {  	_ =	swait.ge [sflag:s2], $0x800  }
0x97: {  	[sflag:s2] =	ssyncset.done $0x0  }
0x98: {  	p0 =	sne.s32 s14, $0x20;
	[sflag:s2] =	ssyncadd.s32 $0xFFFFF800  }
.Ltmp9:
0x99: {  	_ =	swait.ge [sflag:s2], $0x800;
	(pc) =	sbr.rel @p0 .LBB2_12-.Ltmp9, $4  }
0x9a: {  	[sflag:s2] =	ssyncset.done $0x0  }
0x9b: {  	s18 =	sadd.s32 s6, s17;
	s19 =	sadd.s32 s6, s16;
	[sflag:s2] =	ssyncadd.s32 $0xFFFFF800  }
0x9c: {  	[spmem:s8@s0], [sflag:s28] =	dma.strided [hbm:s18@s29], $0x800, s31, $0x10   }
0x9d: {  	[spmem:s9@s0], [sflag:s28] =	dma.strided [hbm:s19@s29], $0x800, s31, $0x10   }
0x9e: {  	_ =	swait.ge [sflag:s31], $0x800  }
0x9f: {  	[sflag:s31] =	ssyncset.done $0x0  }
0xa0: {  	[sflag:s31] =	ssyncadd.s32 $0xFFFFF800  }
0xa1: {  	_ =	swait.ge [sflag:s31], $0x800  }
0xa2: {  	[sflag:s31] =	ssyncset.done $0x0  }
0xa3: {  	s25 =	sadd.s32 $0x1, s25;
	[sflag:s31] =	ssyncadd.s32 $0xFFFFF800  }
0xa4: {  	p0 =	sne.s32 s25, s23;
	_ =	swait.ge [sflag:s31], $0x800  }
.Ltmp10:
0xa5: {  	[sflag:s31] =	ssyncset.done $0x0;
	(pc) =	sbr.rel @p0 .LBB2_1-.Ltmp10, $4  }
0xa6: {  	[sflag:s31] =	ssyncadd.s32 $0xFFFFF800  }
0xa7: {  	_ =	swait.ge [sflag:s31], $0x800  }
0xa8: {  	[sflag:s31] =	ssyncset.done $0x0  }
0xa9: {  	[sflag:s31] =	ssyncadd.s32 $0xFFFFF800  }
0xaa: {  	_ =	sfence.sel $0x180000  }
0xab: {  	[bflag:$0x0] =	sbarrier.arrive $0xFFFF  }
0xac: {  	_ =	strace $0x9000004D  }
0xad: {  	s0 =	stileid.u32;
	[bflag:$0x2] =	sbarrier.arrive $0xFFFF  }
0xae: {  	p0 =	sne.s32 s0, $0x0;
	s0 =	rddreg [dreg:$0x4]  }
0xaf: {  	s0 =	sadd.s32 @!p0 $0x100000, s0  }
0xb0: {  	[sflag:s0] =	ssyncadd.tile.s32 @!p0 $0x1;
	_ =	shalt  }
.Lfunc_end2:
_tile_overlayer_lowered:
.L_overlay_start_2:
0xb1: {  	(tag) =	ssettag $0x2  }
0xb2: {  	s0 =	rddreg [dreg:$0x0];
	s2 =	stileid.u32  }
0xb3: {  	s1 =	rddreg [dreg:$0x1];
	p0 =	sne.s32 s2, $0x0  }
0xb4: {  	s3 =	rddreg [dreg:$0x2];
	[bflag:$0x3] =	sbarrier.arrive $0xFFFF;
	s2 =	simm.s32 @!p0 $0x1C04  }
0xb5: {  	[timem:s3], [sflag:s2] =	dma.local @!p0 [hbm:s0], s1  }
0xb6: {  	s0 =	simm.s32 @!p0 $0x4  }
0xb7: {  	_ =	swait.ge @!p0 [sflag:s0], s1  }
0xb8: {  	s1 =	ssub.s32 @!p0 $0x0, s1;
	[sflag:s0] =	ssyncset.done @!p0 $0x0  }
0xb9: {  	[sflag:s0] =	ssyncadd.s32 @!p0 s1  }
0xba: {  	[bflag:$0x3] =	sbarrier.arrive $0xFFFF  }
0xbb: {  	_ =	shalt  }

// kernel: sparse-core-data-format-call.1.cloned.1.call-start
scs
called_computation.1_lowered:
.L_overlay_start_0:
0x0: {  	s2 =	sld [smem:$0x3FD9]  }
0x1: {  	s3 =	sld [smem:$0x3FFE];
	_ =	sdelay $0x1  }
0x2: {  	s1 =	srdreg.scid  }
0x3: {  	s0 =	sand.u32 $0x1, s1  }
0x4: {  	s19 =	sshll.u32 s0, $0xA;
	s2 =	sadd.s32 s3, s2  }
0x5: {  	s2 =	sadd.s32 s2, s19  }
0x6: {  	[smem:$0x3FC5] =	sst s2  }
0x7: {  	_ = 	snop  }
0x8: {  	s20 =	sld [smem:$0x3FC7]  }
0x9: {  	s4 =	sld [smem:$0x3FD0];
	(tm) =	ssettm $0x1  }
0xa: {  	s21 =	sld [smem:$0x3FFB];
	_ =	sdelay $0x3  }
0xb: {  	_ =	strace s21  }
0xc: {  	s2 =	sld [smem:$0x3FFC];
	_ =	sdelay $0x3  }
0xd: {  	_ =	strace s2  }
0xe: {  	s2 =	sld [smem:$0x3FFD];
	_ =	sdelay $0x3  }
0xf: {  	_ =	strace s2  }
0x10: {  	_ =	strace $0x8FFFFFFF  }
0x11: {  	s22 =	sld [smem:$0x3FDB];
	_ =	sdelay $0x1  }
0x12: {  	s5 =	simm.s32 $_scs_section_size  }
0x13: {  	s6 =	simm.s32 $_size__tile_overlayer_lowered;
	s7 =	simm.s32 $_tile_overlayer_lowered  }
0x14: {  	s8 =	simm.s32 $0x1BFF;
	s23 =	sshll.u32 s7, $0x1;
	s5 =	sadd.s32 s5, s22  }
0x15: {  	s24 =	simm.s32 $0x0;
	s6 =	sshll.u32 s6, $0x1;
	s7 =	sadd.s32 s23, s5  }
0x16: {  	[timem:s24], [sflag:s8] =	dma.local [hbm:s7], s6  }
0x17: {  	_ =	swait.ge [sflag:s8], s6  }
0x18: {  	s6 =	ssub.s32 $0x0, s6;
	[sflag:s8] =	ssyncset.done $0x0  }
0x19: {  	[sflag:s8] =	ssyncadd.s32 s6;
	_ =	sdelay $0x1  }
0x1a: {  	s25 =	simm.s32 $0x1B8B  }
0x1b: {  	_ =	swait.ge [sflag:s25], $0x1  }
0x1c: {  	[sflag:s25] =	ssyncset.done $0x0  }
0x1d: {  	[sflag:s25] =	ssyncadd.s32 $0xFFFFFFFF  }
0x1e: {  	s6 =	sld [smem:$0x0]  }
0x1f: {  	s7 =	sand.u32 $0xFFFFFFFE, s1  }
0x20: {  	p0 =	sne.s32 s1, s7  }
0x21: {  	s7 =	sshll.u32 @p0 s7, $0xE  }
0x22: {  	s7 =	sadd.s32 @p0 $0x11B8D, s7;
	s8 =	sshll.u32 @p0 s6, $0x11  }
0x23: {  	s7 =	sor.u32 @p0 s8, s7  }
0x24: {  	[sflag:s7] =	ssyncadd.remote.s32 @p0 $0x1;
	_ =	sdelay $0x1  }
0x25: {  	s7 =	simm.s32 @p0 $0x1B8D  }
0x26: {  	_ =	swait.eq @p0 [sflag:s7], $0x1  }
0x27: {  	[sflag:s7] =	ssyncadd.s32 @p0 $0xFFFFFFFF  }
0x28: {  	s8 =	sshll.u32 @!p0 s1, $0xE  }
0x29: {  	s8 =	sor.u32 @!p0 $0x4000, s8;
	s7 =	simm.s32 @!p0 $0x1B8D  }
0x2a: {  	s6 =	sshll.u32 @!p0 s6, $0x11;
	s8 =	sadd.s32 @!p0 $0x11B8D, s8;
	_ =	swait.eq @!p0 [sflag:s7], $0x1  }
0x2b: {  	s6 =	sor.u32 @!p0 s6, s8;
	[sflag:s7] =	ssyncadd.s32 @!p0 $0xFFFFFFFF  }
0x2c: {  	s26 =	simm.s32 $0x1B8E;
	[sflag:s6] =	ssyncadd.remote.s32 @!p0 $0x1  }
0x2d: {  	s27 =	simm.s32 $execute0_lowered;
	[smem:$0x3FD2] =	sst s26  }
0x2e: {  	s6 =	sshll.u32 s27, $0x1;
	_ =	strace $0x80000049;
	[dreg:$0x1] =	wrdreg $0xFFFFFFFF  }
0x2f: {  	s28 =	simm.s32 $_size_execute0_lowered;
	s5 =	sadd.s32 s5, s6;
	[dreg:$0x0] =	wrdreg $0x0  }
0x30: {  	s6 =	sshll.u32 s28, $0x1;
	[dreg:$0x2] =	wrdreg s5  }
0x31: {  	[dreg:$0x3] =	wrdreg s6  }
0x32: {  	[dreg:$0x4] =	wrdreg $0xC0  }
0x33: {  	_ =	task [dreg:s24], $0x5FFFF  }
0x34: {  	[dreg:$0x1] =	wrdreg $0xFFFFFFFF  }
0x35: {  	[dreg:$0x0] =	wrdreg $0x60  }
0x36: {  	[dreg:$0x2] =	wrdreg s20  }
0x37: {  	[dreg:$0x3] =	wrdreg s4  }
0x38: {  	[dreg:$0x4] =	wrdreg $0x9  }
0x39: {  	_ =	task.clear_ibuf [dreg:s24], $0x5FFFF;
	_ =	strace $0x90000049  }
0x3a: {  	s29 =	simm.s32 $0x9;
	_ =	strace $0x8000004B  }
0x3b: {  	_ =	swait.ge [sflag:s29], $0x1  }
0x3c: {  	[sflag:s29] =	ssyncadd.s32 $0xFFFFFFFF  }
0x3d: {  	_ =	strace $0x9000004B  }
0x3e: {  	_ =	sfence  }
0x3f: {  	s30 =	sld [smem:$0x0];
	_ =	sdelay $0x2  }
0x40: {  	s31 =	sshll.u32 s1, $0xD;
	s1 =	sshrl.u32 s1, $0x2  }
0x41: {  	s4 =	sand.u32 $0x4000, s31;
	s1 =	sadd.s32 s1, s30  }
0x42: {  	s0 =	sor.u32 s4, s0;
	s1 =	sshll.u32 s1, $0x11  }
0x43: {  	s0 =	sor.u32 s1, s0  }
0x44: {  	s0 =	sadd.s32 $0x8F2B, s0  }
0x45: {  	[sflag:s0] =	ssyncadd.remote.s32 $0x1  }
0x46: {  	_ =	sfence.sel $0xFFFF  }
0x47: {  	[dreg:$0x0] =	wrdreg $0xFFFFFFFF;
	(pc) =	sbr.abs _section_cstart, $3  }
0x48: {  	[dreg:$0x1] =	wrdreg $0xFFFFFFFF  }
0x49: {  	_ =	task.clear_ibuf [dreg:s24], $0x2FFFF;
	_ =	strace $0x9FFFFFFF  }
0x4a: {  	(tm) =	ssettm $0x7FFFFFFF  }
0x4b: {  	_ =	shalt  }
tec
execute0_lowered:
.L_overlay_start_1:
0x0: {  	(tag) =	ssettag $0x1  }
0x1: {  	s2 =	rddreg [dreg:$0x0]  }
0x2: {  	s3 =	rddreg [dreg:$0x1];
	s1 =	srdreg.scid  }
0x3: {  	s0 =	rddreg [dreg:$0x2];
	_ =	strace $0x8000004A;
	s5 =	simm.s32 $0x1  }
0x4: {  	s8 =	simm.s32 $0x2;
	s14 =	simm.s32 $0x0;
	p0 =	por $0x0, $0x0  }
0x5: {  	s15 =	simm.s32 $0x0;
	s17 =	simm.s32 $0x0;
	s16 =	simm.s32 $0x0  }
0x6: {  	s10 =	simm.s32 $0x0;
	s11 =	simm.s32 $0x0;
	s4 =	sand.u32 $0x1, s1  }
.Ltmp0:
0x7: {  	s13 =	stileid.u32;
	s6 =	ssub.s32 $0x8, s4;
	(pc) =	sbr.rel .LBB1_1-.Ltmp0, $4  }
0x8: {  	s1 =	stileid.u32;
	[sflag:s5] =	ssyncpa.u1 $0x0;
	s7 =	sshrl.u32 s6, $0x1  }
0x9: {  	[sflag:s8] =	ssyncpa.u1 $0x0;
	s8 =	simm.s32 $0x1000;
	s9 =	sadd.s32 s4, s7  }
0xa: {  	s12 =	smov.u32 s4;
	s6 =	ssub.s32 s6, s7;
	s31 =	sshll.u32 s9, $0x4  }
0xb: {  	s6 =	sshll.u32 s6, $0x4;
	s9 =	simm.s32 $0x0;
	s7 =	ssub.s32 $0x82, s31  }
.LBB1_4:
0xc: {  	_ =	sdelay $0x3  }
0xd: {  	[tilespmem:v0+s20+$0xFFFFFFA0 ss:$0x1] =	vst.idx.msk $0xffff, v6  }
0xe: {  	v56 =	vld.idx.msk [tilespmem:v1+s19+$0x30 ss:$0x1], $0xffff;
	[tilespmem:v0+s20+$0xFFFFFFB0 ss:$0x1] =	vst.idx.msk $0xffff, v4  }
0xf: {  	v57 =	vld.idx.msk [tilespmem:v1+s19+$0xFFFFFFC0 ss:$0x1], $0xffff;
	[tilespmem:v0+s20+$0xFFFFFFC0 ss:$0x1] =	vst.idx.msk $0xffff, v2  }
0x10: {  	v58 =	vld.idx.msk [tilespmem:v1+s19+$0xFFFFFFD0 ss:$0x1], $0xffff;
	[tilespmem:v0+s20+$0xFFFFFFD0 ss:$0x1] =	vst.idx.msk $0xffff, v3  }
0x11: {  	v59 =	vld.idx.msk [tilespmem:v1+s19+$0xFFFFFFE0 ss:$0x1], $0xffff;
	[tilespmem:v0+s20+$0xFFFFFFE0 ss:$0x1] =	vst.idx.msk $0xffff, v5  }
0x12: {  	v60 =	vld.idx.msk [tilespmem:v1+s19+$0xFFFFFFF0 ss:$0x1], $0xffff;
	[tilespmem:v0+s20+$0xFFFFFFF0 ss:$0x1] =	vst.idx.msk $0xffff, v7  }
0x13: {  	v61 =	vld.idx.msk [tilespmem:v1+s19+$0x0 ss:$0x1], $0xffff;
	[tilespmem:v0+s19+$0x0 ss:$0x1] =	vst.idx.msk $0xffff, v56  }
0x14: {  	v62 =	vld.idx.msk [tilespmem:v1+s19+$0x10 ss:$0x1], $0xffff;
	[tilespmem:v0+s19+$0xFFFFFF90 ss:$0x1] =	vst.idx.msk $0xffff, v57  }
0x15: {  	s17 =	sshll.u32 s17, $0x7;
	v63 =	vld.idx.msk [tilespmem:v1+s19+$0x20 ss:$0x1], $0xffff;
	s29 =	sand.u32 $0x78, s14;
	[tilespmem:v0+s19+$0xFFFFFFA0 ss:$0x1] =	vst.idx.msk $0xffff, v58  }
0x16: {  	s30 =	sshll.u32 s14, $0x3;
	s16 =	sshll.u32 s16, $0x12;
	s17 =	sand.u32 $0x380, s17;
	[tilespmem:v0+s19+$0xFFFFFFB0 ss:$0x1] =	vst.idx.msk $0xffff, v59  }
0x17: {  	s15 =	sshll.u32 s15, $0x9;
	s20 =	sand.u32 $0xC00, s30;
	s17 =	sor.u32 s29, s17;
	[tilespmem:v0+s19+$0xFFFFFFC0 ss:$0x1] =	vst.idx.msk $0xffff, v60  }
0x18: {  	s31 =	sand.u32 $0x7, s14;
	s16 =	sadd.s32 s3, s16;
	s17 =	sor.u32 s20, s17;
	[tilespmem:v0+s19+$0xFFFFFFD0 ss:$0x1] =	vst.idx.msk $0xffff, v61  }
0x19: {  	s14 =	sshll.u32 s31, $0x12;
	s15 =	sadd.s32 s15, s16;
	s17 =	sshrl.u32 s17, $0x3;
	[tilespmem:v0+s19+$0xFFFFFFE0 ss:$0x1] =	vst.idx.msk $0xffff, v62  }
0x1a: {  	s14 =	sor.u32 $0x80, s14;
	[tilespmem:v0+s19+$0xFFFFFFF0 ss:$0x1] =	vst.idx.msk $0xffff, v63;
	s15 =	sadd.s32 s17, s15  }
0x1b: {  	[hbm4b:s15+s14] =	stream.strided.scatter [tilespmem:s18], [sflag:$0x2], $0x4000, s8, s14, $0x38;
	[tilespmem:$0x10000] =	vst v63  }
.LBB1_5:
0x1c: {  	s18 =	sadd.s32 $0x80, s10  }
0x1d: {  	s14 =	sadd.s32 $0x80, s11;
	s19 =	smov.u32 s11;
	p2 =	sgt.s32 s18, $0x1FF  }
0x1e: {  	s19 =	smov.u32 @p2 s14  }
0x1f: {  	s20 =	smov.u32 s12;
	s14 =	sadd.s32 $0x2, s12;
	p3 =	sgt.s32 s19, $0x1FF  }
0x20: {  	s20 =	smov.u32 @p3 s14  }
0x21: {  	s21 =	smov.u32 s13;
	s14 =	sadd.s32 $0x10, s13;
	p4 =	sgt.s32 s20, $0x7  }
0x22: {  	p1 =	slt.u32 s9, $0x2;
	s21 =	smov.u32 @p4 s14  }
0x23: {  	s9 =	sadd.s32 $0x1, s9;
	s18 =	simm.s32 @p2 $0x0;
	p2 =	sgt.s32 s21, $0xF  }
0x24: {  	s22 =	simm.s32 @!p1 $0x2;
	s21 =	smov.u32 @p2 s1;
	p2 =	sne.s32 s9, s7  }
.Ltmp1:
0x25: {  	s15 =	smov.u32 s11;
	_ =	swait.ge @!p1 [sflag:s22], $0x4000;
	(pc) =	sbr.rel @!p2 .LBB1_6-.Ltmp1, $4  }
0x26: {  	s17 =	smov.u32 s12;
	s16 =	smov.u32 s13;
	[sflag:s22] =	ssyncset.done @!p1 $0x0  }
0x27: {  	p0 =	por !p0, !p0;
	s19 =	simm.s32 @p3 $0x0;
	[sflag:s22] =	ssyncadd.s32 @!p1 $0xFFFFC000  }
0x28: {  	s11 =	smov.u32 s19;
	s20 =	smov.u32 @p4 s4;
	s14 =	smov.u32 s10  }
0x29: {  	s10 =	smov.u32 s18;
	s12 =	smov.u32 s20;
	s13 =	smov.u32 s21  }
.LBB1_1:
0x2a: {  	p1 =	sge.u32 s9, s6;
	s31 =	sadd.s32 $0xFFFFFFFF, s9  }
0x2b: {  	s18 =	sxor.u32 @!p1 $0xFFFFFFFF, s9;
	s19 =	sand.u32 @!p1 $0x78, s10;
	s20 =	sshll.u32 @!p1 s11, $0x9  }
0x2c: {  	s21 =	sshll.u32 @!p1 s10, $0x3;
	s22 =	sshll.u32 @!p1 s11, $0x7;
	s18 =	sshll.u32 @!p1 s18, $0xE  }
0x2d: {  	s20 =	sand.u32 @!p1 $0x3F000, s20;
	s21 =	sand.u32 @!p1 $0x3FC00, s21;
	s18 =	sand.u32 @!p1 $0x4000, s18  }
0x2e: {  	s20 =	sadd.s32 @!p1 s20, s21;
	s21 =	sand.u32 @!p1 $0x200, s22;
	s22 =	sand.u32 @!p1 $0x180, s22  }
0x2f: {  	s20 =	sor.u32 @!p1 s21, s20;
	s19 =	sor.u32 @!p1 s19, s22;
	s21 =	sshll.u32 @!p1 s13, $0x12  }
0x30: {  	s22 =	sshll.u32 @!p1 s12, $0xF;
	s20 =	sshrl.u32 @!p1 s20, $0x3;
	s21 =	sadd.s32 @!p1 s2, s21  }
0x31: {  	s19 =	sshrl.u32 @!p1 s19, $0x3;
	s21 =	sadd.s32 @!p1 s22, s21;
	s22 =	sand.u32 @!p1 $0x7, s10  }
0x32: {  	s20 =	sand.u32 @!p1 $0x7FC0, s20;
	s19 =	sadd.s32 @!p1 s19, s21;
	s21 =	sshll.u32 @!p1 s22, $0x12  }
0x33: {  	s19 =	sadd.s32 @!p1 s20, s19;
	s20 =	sor.u32 @!p1 $0x400, s21;
	s21 =	simm.s32 @!p1 $0x1000  }
0x34: {  	[tilespmem:s18], [sflag:$0x1] =	stream.strided.gather @!p1 [hbm4b:s19+s20], $0x4000, s21, s20, $0x38;
	[tilespmem:$0x10000] =	vst v63  }
0x35: {  	p1 =	sge.u32 s31, s6  }
.Ltmp2:
0x36: {  	_ = 	snop;
	(pc) =	sbr.rel @p1 .LBB1_5-.Ltmp2, $1  }
0x37: {  	_ =	sdelay $0x3  }
0x38: {  	s18 =	simm.s32 $0x1  }
0x39: {  	s18 =	simm.s32 @!p0 $0x0  }
0x3a: {  	s18 =	sshll.u32 s18, $0xE  }
0x3b: {  	s19 =	sor.u32 $0x40, s18  }
0x3c: {  	v1 =	vmov s19;
	_ =	sdelay $0x1  }
0x3d: {  	_ =	swait.ge [sflag:s5], $0x4000  }
0x3e: {  	[sflag:s5] =	ssyncset.done $0x0  }
0x3f: {  	s20 =	simm.s32 $0x0;
	[sflag:s5] =	ssyncadd.s32 $0xFFFFC000  }
0x40: {  	s18 =	sor.u32 $0x8070, s18;
	v7 =	vld.idx.msk [tilespmem:v1+s20+$0x30 ss:$0x1], $0xffff  }
0x41: {  	v0 =	vmov s18;
	v8 =	vld.idx.msk [tilespmem:v1+s20+$0xFFFFFFC0 ss:$0x1], $0xffff  }
0x42: {  	v6 =	vld.idx.msk [tilespmem:v1+s20+$0xFFFFFFD0 ss:$0x1], $0xffff  }
0x43: {  	v4 =	vld.idx.msk [tilespmem:v1+s20+$0xFFFFFFE0 ss:$0x1], $0xffff  }
0x44: {  	v2 =	vld.idx.msk [tilespmem:v1+s20+$0xFFFFFFF0 ss:$0x1], $0xffff  }
0x45: {  	s31 =	sshll.u32 s9, $0xE;
	v3 =	vld.idx.msk [tilespmem:v1+s20+$0x0 ss:$0x1], $0xffff  }
0x46: {  	s18 =	sand.u32 $0x4000, s31;
	v5 =	vld.idx.msk [tilespmem:v1+s20+$0x10 ss:$0x1], $0xffff;
	[tilespmem:v0+s20+$0x0 ss:$0x1] =	vst.idx.msk $0xffff, v7  }
0x47: {  	s21 =	simm.s32 $0x400;
	s19 =	simm.s32 $0x80;
	s18 =	sor.u32 $0x8000, s18;
	[tilespmem:v0+s20+$0xFFFFFF90 ss:$0x1] =	vst.idx.msk $0xffff, v8;
	v7 =	vld.idx.msk [tilespmem:v1+s20+$0x20 ss:$0x1], $0xffff  }
.LBB1_3:
0x48: {  	p1 =	sne.s32 s21, $0xFE00;
	v8 =	vld.idx.msk [tilespmem:v1+s19+$0x30 ss:$0x1], $0xffff;
	[tilespmem:v0+s20+$0xFFFFFFA0 ss:$0x1] =	vst.idx.msk $0xffff, v6  }
0x49: {  	v9 =	vld.idx.msk [tilespmem:v1+s19+$0xFFFFFFC0 ss:$0x1], $0xffff;
	[tilespmem:v0+s20+$0xFFFFFFB0 ss:$0x1] =	vst.idx.msk $0xffff, v4  }
0x4a: {  	v6 =	vld.idx.msk [tilespmem:v1+s19+$0xFFFFFFD0 ss:$0x1], $0xffff;
	[tilespmem:v0+s20+$0xFFFFFFC0 ss:$0x1] =	vst.idx.msk $0xffff, v2  }
.Ltmp3:
0x4b: {  	v4 =	vld.idx.msk [tilespmem:v1+s19+$0xFFFFFFE0 ss:$0x1], $0xffff;
	[tilespmem:v0+s20+$0xFFFFFFD0 ss:$0x1] =	vst.idx.msk $0xffff, v3;
	(pc) =	sbr.rel @p1 .LBB1_3-.Ltmp3, $4  }
0x4c: {  	v2 =	vld.idx.msk [tilespmem:v1+s19+$0xFFFFFFF0 ss:$0x1], $0xffff;
	[tilespmem:v0+s20+$0xFFFFFFE0 ss:$0x1] =	vst.idx.msk $0xffff, v5  }
0x4d: {  	v3 =	vld.idx.msk [tilespmem:v1+s19+$0x0 ss:$0x1], $0xffff;
	[tilespmem:v0+s20+$0xFFFFFFF0 ss:$0x1] =	vst.idx.msk $0xffff, v7;
	s20 =	smov.u32 s19  }
0x4e: {  	v5 =	vld.idx.msk [tilespmem:v1+s20+$0x10 ss:$0x1], $0xffff;
	[tilespmem:v0+s20+$0x0 ss:$0x1] =	vst.idx.msk $0xffff, v8  }
0x4f: {  	s19 =	sshra.s32 s21, $0x2;
	s21 =	sadd.s32 $0x200, s21;
	[tilespmem:v0+s20+$0xFFFFFF90 ss:$0x1] =	vst.idx.msk $0xffff, v9;
	v7 =	vld.idx.msk [tilespmem:v1+s20+$0x20 ss:$0x1], $0xffff  }
.Ltmp4:
0x50: {  	_ = 	snop;
	(pc) =	sbr.rel .LBB1_4-.Ltmp4, $1  }
0x51: {  	_ =	sdelay $0x3  }
.LBB1_6:
0x52: {  	_ =	sfence.sel $0x180000  }
0x53: {  	s2 =	simm.s32 $0x1;
	[bflag:$0x0] =	sbarrier.arrive $0xFFFF  }
0x54: {  	s31 =	simm.s32 $0x2;
	[sflag:s2] =	ssyncpa.u1 $0x1  }
0x55: {  	[sflag:s31] =	ssyncpa.u1 $0x1  }
0x56: {  	p0 =	sne.s32 s1, $0x0;
	_ =	strace $0x9000004A  }
0x57: {  	s0 =	sadd.s32 @!p0 $0x100000, s0;
	[bflag:$0x2] =	sbarrier.arrive $0xFFFF  }
0x58: {  	[sflag:s0] =	ssyncadd.tile.s32 @!p0 $0x1;
	_ =	shalt  }
.Lfunc_end1:
_tile_overlayer_lowered:
.L_overlay_start_2:
0x59: {  	(tag) =	ssettag $0x2  }
0x5a: {  	s0 =	rddreg [dreg:$0x0];
	s2 =	stileid.u32  }
0x5b: {  	s1 =	rddreg [dreg:$0x1];
	p0 =	sne.s32 s2, $0x0  }
0x5c: {  	s3 =	rddreg [dreg:$0x2];
	[bflag:$0x3] =	sbarrier.arrive $0xFFFF;
	s2 =	simm.s32 @!p0 $0x1C01  }
0x5d: {  	[timem:s3], [sflag:s2] =	dma.local @!p0 [hbm:s0], s1  }
0x5e: {  	s0 =	simm.s32 @!p0 $0x1  }
0x5f: {  	_ =	swait.ge @!p0 [sflag:s0], s1  }
0x60: {  	s1 =	ssub.s32 @!p0 $0x0, s1;
	[sflag:s0] =	ssyncset.done @!p0 $0x0  }
0x61: {  	[sflag:s0] =	ssyncadd.s32 @!p0 s1  }
0x62: {  	[bflag:$0x3] =	sbarrier.arrive $0xFFFF  }
0x63: {  	_ =	shalt  }

// kernel: sparse-core-data-format-call.2.cloned.1.call-start
scs
called_computation.2_lowered:
.L_overlay_start_0:
0x0: {  	s2 =	sld [smem:$0x3FD9]  }
0x1: {  	s3 =	sld [smem:$0x3FFE];
	_ =	sdelay $0x1  }
0x2: {  	s1 =	srdreg.scid  }
0x3: {  	s0 =	sand.u32 $0x1, s1  }
0x4: {  	s18 =	sshll.u32 s0, $0xA;
	s2 =	sadd.s32 s3, s2  }
0x5: {  	s2 =	sadd.s32 s2, s18  }
0x6: {  	[smem:$0x3FC5] =	sst s2  }
0x7: {  	_ = 	snop  }
0x8: {  	s2 =	sld [smem:$0x3FC8];
	(tm) =	ssettm $0x1  }
0x9: {  	s19 =	sld [smem:$0x3FFB];
	_ =	sdelay $0x3  }
0xa: {  	_ =	strace s19  }
0xb: {  	s3 =	sld [smem:$0x3FFC];
	_ =	sdelay $0x3  }
0xc: {  	_ =	strace s3  }
0xd: {  	s3 =	sld [smem:$0x3FFD];
	_ =	sdelay $0x3  }
0xe: {  	_ =	strace s3  }
0xf: {  	_ =	strace $0x8FFFFFFF  }
0x10: {  	s20 =	sld [smem:$0x3FDB];
	_ =	sdelay $0x1  }
0x11: {  	s4 =	simm.s32 $_scs_section_size  }
0x12: {  	s5 =	simm.s32 $_size__tile_overlayer_lowered;
	s6 =	simm.s32 $_tile_overlayer_lowered  }
0x13: {  	s23 =	simm.s32 $0x1BFF;
	s22 =	sshll.u32 s6, $0x1;
	s3 =	sadd.s32 s4, s20  }
0x14: {  	s7 =	simm.s32 $0x0;
	s21 =	sshll.u32 s5, $0x1;
	s5 =	sadd.s32 s22, s3  }
0x15: {  	[timem:s7], [sflag:s23] =	dma.local [hbm:s5], s21  }
0x16: {  	_ =	swait.ge [sflag:s23], s21  }
0x17: {  	s4 =	ssub.s32 $0x0, s21;
	[sflag:s23] =	ssyncset.done $0x0  }
0x18: {  	[sflag:s23] =	ssyncadd.s32 s4;
	_ =	sdelay $0x1  }
0x19: {  	s24 =	simm.s32 $0x1B8B  }
0x1a: {  	_ =	swait.ge [sflag:s24], $0x1  }
0x1b: {  	[sflag:s24] =	ssyncset.done $0x0  }
0x1c: {  	s26 =	simm.s32 $0x1B8E;
	s25 =	sld [smem:$0x3FFE];
	[sflag:s24] =	ssyncadd.s32 $0xFFFFFFFF  }
0x1d: {  	s27 =	simm.s32 $execute0_lowered;
	[smem:$0x3FD2] =	sst s26  }
0x1e: {  	s5 =	sshll.u32 s27, $0x1;
	_ =	strace $0x80000046;
	[dreg:$0x1] =	wrdreg $0xFFFFFFFF  }
0x1f: {  	s28 =	simm.s32 $_size_execute0_lowered;
	s3 =	sadd.s32 s3, s5;
	[dreg:$0x0] =	wrdreg $0x0  }
0x20: {  	s5 =	sshll.u32 s28, $0x1;
	[dreg:$0x2] =	wrdreg s3  }
0x21: {  	[dreg:$0x3] =	wrdreg s5  }
0x22: {  	[dreg:$0x4] =	wrdreg $0xC0  }
0x23: {  	_ =	task [dreg:s7], $0x5FFFF  }
0x24: {  	[dreg:$0x1] =	wrdreg $0xFFFFFFFF  }
0x25: {  	[dreg:$0x0] =	wrdreg $0x60  }
0x26: {  	[dreg:$0x2] =	wrdreg s2  }
0x27: {  	[dreg:$0x3] =	wrdreg s25  }
0x28: {  	[dreg:$0x4] =	wrdreg $0xA  }
0x29: {  	_ =	task.clear_ibuf [dreg:s7], $0x5FFFF;
	_ =	strace $0x90000046  }
0x2a: {  	s29 =	simm.s32 $0xA;
	_ =	strace $0x80000048  }
0x2b: {  	_ =	swait.ge [sflag:s29], $0x1  }
0x2c: {  	[sflag:s29] =	ssyncadd.s32 $0xFFFFFFFF  }
0x2d: {  	_ =	strace $0x90000048  }
0x2e: {  	_ =	sfence  }
0x2f: {  	s30 =	sld [smem:$0x0];
	_ =	sdelay $0x2  }
0x30: {  	s31 =	sshll.u32 s1, $0xD;
	s1 =	sshrl.u32 s1, $0x2  }
0x31: {  	s3 =	sand.u32 $0x4000, s31;
	s1 =	sadd.s32 s1, s30  }
0x32: {  	s0 =	sor.u32 s3, s0;
	s1 =	sshll.u32 s1, $0x11  }
0x33: {  	s0 =	sor.u32 s1, s0  }
0x34: {  	s0 =	sadd.s32 $0x8F2B, s0  }
0x35: {  	[sflag:s0] =	ssyncadd.remote.s32 $0x1  }
0x36: {  	_ =	sfence.sel $0xFFFF  }
0x37: {  	[dreg:$0x0] =	wrdreg $0xFFFFFFFF;
	(pc) =	sbr.abs _section_cstart, $3  }
0x38: {  	[dreg:$0x1] =	wrdreg $0xFFFFFFFF  }
0x39: {  	_ =	task.clear_ibuf [dreg:s7], $0x2FFFF;
	_ =	strace $0x9FFFFFFF  }
0x3a: {  	(tm) =	ssettm $0x7FFFFFFF  }
0x3b: {  	_ =	shalt  }
tec
execute0_lowered:
.L_overlay_start_1:
0x0: {  	(tag) =	ssettag $0x1  }
0x1: {  	s2 =	rddreg [dreg:$0x0]  }
0x2: {  	s1 =	rddreg [dreg:$0x1]  }
0x3: {  	s3 =	srdreg.scid;
	s0 =	rddreg [dreg:$0x2]  }
0x4: {  	_ =	strace $0x80000047;
	s5 =	simm.s32 $0x1;
	s8 =	simm.s32 $0x2  }
0x5: {  	s14 =	simm.s32 $0x0;
	p0 =	por $0x0, $0x0;
	s15 =	simm.s32 $0x0  }
0x6: {  	s17 =	simm.s32 $0x0;
	s16 =	simm.s32 $0x0;
	s10 =	simm.s32 $0x0  }
0x7: {  	s11 =	simm.s32 $0x0;
	s13 =	stileid.u32;
	s3 =	sand.u32 $0x1, s3  }
.Ltmp0:
0x8: {  	s4 =	sadd.s32 $0x1600, s1;
	s6 =	ssub.s32 $0x8, s3;
	(pc) =	sbr.rel .LBB1_1-.Ltmp0, $4  }
0x9: {  	s1 =	stileid.u32;
	[sflag:s5] =	ssyncpa.u1 $0x0;
	s7 =	sshrl.u32 s6, $0x1  }
0xa: {  	[sflag:s8] =	ssyncpa.u1 $0x0;
	s8 =	simm.s32 $0x1000;
	s9 =	sadd.s32 s3, s7  }
0xb: {  	s12 =	smov.u32 s3;
	s6 =	ssub.s32 s6, s7;
	s31 =	sshll.u32 s9, $0x4  }
0xc: {  	s6 =	sshll.u32 s6, $0x4;
	s9 =	simm.s32 $0x0;
	s7 =	ssub.s32 $0x82, s31  }
.LBB1_4:
0xd: {  	_ =	sdelay $0x3  }
0xe: {  	[tilespmem:v0+s20+$0xFFFFFFA0 ss:$0x1] =	vst.idx.msk $0xffff, v6  }
0xf: {  	v56 =	vld.idx.msk [tilespmem:v1+s19+$0x30 ss:$0x1], $0xffff;
	[tilespmem:v0+s20+$0xFFFFFFB0 ss:$0x1] =	vst.idx.msk $0xffff, v4  }
0x10: {  	v57 =	vld.idx.msk [tilespmem:v1+s19+$0xFFFFFFC0 ss:$0x1], $0xffff;
	[tilespmem:v0+s20+$0xFFFFFFC0 ss:$0x1] =	vst.idx.msk $0xffff, v2  }
0x11: {  	v58 =	vld.idx.msk [tilespmem:v1+s19+$0xFFFFFFD0 ss:$0x1], $0xffff;
	[tilespmem:v0+s20+$0xFFFFFFD0 ss:$0x1] =	vst.idx.msk $0xffff, v3  }
0x12: {  	v59 =	vld.idx.msk [tilespmem:v1+s19+$0xFFFFFFE0 ss:$0x1], $0xffff;
	[tilespmem:v0+s20+$0xFFFFFFE0 ss:$0x1] =	vst.idx.msk $0xffff, v5  }
0x13: {  	v60 =	vld.idx.msk [tilespmem:v1+s19+$0xFFFFFFF0 ss:$0x1], $0xffff;
	[tilespmem:v0+s20+$0xFFFFFFF0 ss:$0x1] =	vst.idx.msk $0xffff, v7  }
0x14: {  	v61 =	vld.idx.msk [tilespmem:v1+s19+$0x0 ss:$0x1], $0xffff;
	[tilespmem:v0+s19+$0x0 ss:$0x1] =	vst.idx.msk $0xffff, v56  }
0x15: {  	v62 =	vld.idx.msk [tilespmem:v1+s19+$0x10 ss:$0x1], $0xffff;
	[tilespmem:v0+s19+$0xFFFFFF90 ss:$0x1] =	vst.idx.msk $0xffff, v57  }
0x16: {  	s17 =	sshll.u32 s17, $0x7;
	v63 =	vld.idx.msk [tilespmem:v1+s19+$0x20 ss:$0x1], $0xffff;
	s29 =	sand.u32 $0x78, s14;
	[tilespmem:v0+s19+$0xFFFFFFA0 ss:$0x1] =	vst.idx.msk $0xffff, v58  }
0x17: {  	s30 =	sshll.u32 s14, $0x3;
	s16 =	sshll.u32 s16, $0x12;
	s17 =	sand.u32 $0x380, s17;
	[tilespmem:v0+s19+$0xFFFFFFB0 ss:$0x1] =	vst.idx.msk $0xffff, v59  }
0x18: {  	s15 =	sshll.u32 s15, $0x9;
	s20 =	sand.u32 $0xC00, s30;
	s17 =	sor.u32 s29, s17;
	[tilespmem:v0+s19+$0xFFFFFFC0 ss:$0x1] =	vst.idx.msk $0xffff, v60  }
0x19: {  	s31 =	sand.u32 $0x7, s14;
	s16 =	sadd.s32 s4, s16;
	s17 =	sor.u32 s20, s17;
	[tilespmem:v0+s19+$0xFFFFFFD0 ss:$0x1] =	vst.idx.msk $0xffff, v61  }
0x1a: {  	s14 =	sshll.u32 s31, $0x12;
	s15 =	sadd.s32 s15, s16;
	s17 =	sshrl.u32 s17, $0x3;
	[tilespmem:v0+s19+$0xFFFFFFE0 ss:$0x1] =	vst.idx.msk $0xffff, v62  }
0x1b: {  	s14 =	sor.u32 $0x80, s14;
	[tilespmem:v0+s19+$0xFFFFFFF0 ss:$0x1] =	vst.idx.msk $0xffff, v63;
	s15 =	sadd.s32 s17, s15  }
0x1c: {  	[hbm4b:s15+s14] =	stream.strided.scatter [tilespmem:s18], [sflag:$0x2], $0x4000, s8, s14, $0x38;
	[tilespmem:$0x10000] =	vst v63  }
.LBB1_5:
0x1d: {  	s18 =	sadd.s32 $0x80, s10  }
0x1e: {  	s14 =	sadd.s32 $0x80, s11;
	s19 =	smov.u32 s11;
	p2 =	sgt.s32 s18, $0x1FF  }
0x1f: {  	s19 =	smov.u32 @p2 s14  }
0x20: {  	s20 =	smov.u32 s12;
	s14 =	sadd.s32 $0x2, s12;
	p3 =	sgt.s32 s19, $0x1FF  }
0x21: {  	s20 =	smov.u32 @p3 s14  }
0x22: {  	s21 =	smov.u32 s13;
	s14 =	sadd.s32 $0x10, s13;
	p4 =	sgt.s32 s20, $0x7  }
0x23: {  	p1 =	slt.u32 s9, $0x2;
	s21 =	smov.u32 @p4 s14  }
0x24: {  	s9 =	sadd.s32 $0x1, s9;
	s18 =	simm.s32 @p2 $0x0;
	p2 =	sgt.s32 s21, $0xF  }
0x25: {  	s22 =	simm.s32 @!p1 $0x2;
	s21 =	smov.u32 @p2 s1;
	p2 =	sne.s32 s9, s7  }
.Ltmp1:
0x26: {  	s15 =	smov.u32 s11;
	_ =	swait.ge @!p1 [sflag:s22], $0x4000;
	(pc) =	sbr.rel @!p2 .LBB1_6-.Ltmp1, $4  }
0x27: {  	s17 =	smov.u32 s12;
	s16 =	smov.u32 s13;
	[sflag:s22] =	ssyncset.done @!p1 $0x0  }
0x28: {  	p0 =	por !p0, !p0;
	s19 =	simm.s32 @p3 $0x0;
	[sflag:s22] =	ssyncadd.s32 @!p1 $0xFFFFC000  }
0x29: {  	s11 =	smov.u32 s19;
	s20 =	smov.u32 @p4 s3;
	s14 =	smov.u32 s10  }
0x2a: {  	s10 =	smov.u32 s18;
	s12 =	smov.u32 s20;
	s13 =	smov.u32 s21  }
.LBB1_1:
0x2b: {  	p1 =	sge.u32 s9, s6;
	s31 =	sadd.s32 $0xFFFFFFFF, s9  }
0x2c: {  	s18 =	sxor.u32 @!p1 $0xFFFFFFFF, s9;
	s19 =	sand.u32 @!p1 $0x78, s10;
	s20 =	sshll.u32 @!p1 s11, $0x9  }
0x2d: {  	s21 =	sshll.u32 @!p1 s10, $0x3;
	s22 =	sshll.u32 @!p1 s11, $0x7;
	s18 =	sshll.u32 @!p1 s18, $0xE  }
0x2e: {  	s20 =	sand.u32 @!p1 $0x3F000, s20;
	s21 =	sand.u32 @!p1 $0x3FC00, s21;
	s18 =	sand.u32 @!p1 $0x4000, s18  }
0x2f: {  	s20 =	sadd.s32 @!p1 s20, s21;
	s21 =	sand.u32 @!p1 $0x200, s22;
	s22 =	sand.u32 @!p1 $0x180, s22  }
0x30: {  	s20 =	sor.u32 @!p1 s21, s20;
	s19 =	sor.u32 @!p1 s19, s22;
	s21 =	sshll.u32 @!p1 s13, $0x12  }
0x31: {  	s22 =	sshll.u32 @!p1 s12, $0xF;
	s20 =	sshrl.u32 @!p1 s20, $0x3;
	s21 =	sadd.s32 @!p1 s2, s21  }
0x32: {  	s19 =	sshrl.u32 @!p1 s19, $0x3;
	s21 =	sadd.s32 @!p1 s22, s21;
	s22 =	sand.u32 @!p1 $0x7, s10  }
0x33: {  	s20 =	sand.u32 @!p1 $0x7FC0, s20;
	s19 =	sadd.s32 @!p1 s19, s21;
	s21 =	sshll.u32 @!p1 s22, $0x12  }
0x34: {  	s19 =	sadd.s32 @!p1 s20, s19;
	s20 =	sor.u32 @!p1 $0x400, s21;
	s21 =	simm.s32 @!p1 $0x1000  }
0x35: {  	[tilespmem:s18], [sflag:$0x1] =	stream.strided.gather @!p1 [hbm4b:s19+s20], $0x4000, s21, s20, $0x38;
	[tilespmem:$0x10000] =	vst v63  }
0x36: {  	p1 =	sge.u32 s31, s6  }
.Ltmp2:
0x37: {  	_ = 	snop;
	(pc) =	sbr.rel @p1 .LBB1_5-.Ltmp2, $1  }
0x38: {  	_ =	sdelay $0x3  }
0x39: {  	s18 =	simm.s32 $0x1  }
0x3a: {  	s18 =	simm.s32 @!p0 $0x0  }
0x3b: {  	s18 =	sshll.u32 s18, $0xE  }
0x3c: {  	s19 =	sor.u32 $0x40, s18  }
0x3d: {  	v1 =	vmov s19;
	_ =	sdelay $0x1  }
0x3e: {  	_ =	swait.ge [sflag:s5], $0x4000  }
0x3f: {  	[sflag:s5] =	ssyncset.done $0x0  }
0x40: {  	s20 =	simm.s32 $0x0;
	[sflag:s5] =	ssyncadd.s32 $0xFFFFC000  }
0x41: {  	s18 =	sor.u32 $0x8070, s18;
	v7 =	vld.idx.msk [tilespmem:v1+s20+$0x30 ss:$0x1], $0xffff  }
0x42: {  	v0 =	vmov s18;
	v8 =	vld.idx.msk [tilespmem:v1+s20+$0xFFFFFFC0 ss:$0x1], $0xffff  }
0x43: {  	v6 =	vld.idx.msk [tilespmem:v1+s20+$0xFFFFFFD0 ss:$0x1], $0xffff  }
0x44: {  	v4 =	vld.idx.msk [tilespmem:v1+s20+$0xFFFFFFE0 ss:$0x1], $0xffff  }
0x45: {  	v2 =	vld.idx.msk [tilespmem:v1+s20+$0xFFFFFFF0 ss:$0x1], $0xffff  }
0x46: {  	s31 =	sshll.u32 s9, $0xE;
	v3 =	vld.idx.msk [tilespmem:v1+s20+$0x0 ss:$0x1], $0xffff  }
0x47: {  	s18 =	sand.u32 $0x4000, s31;
	v5 =	vld.idx.msk [tilespmem:v1+s20+$0x10 ss:$0x1], $0xffff;
	[tilespmem:v0+s20+$0x0 ss:$0x1] =	vst.idx.msk $0xffff, v7  }
0x48: {  	s21 =	simm.s32 $0x400;
	s19 =	simm.s32 $0x80;
	s18 =	sor.u32 $0x8000, s18;
	[tilespmem:v0+s20+$0xFFFFFF90 ss:$0x1] =	vst.idx.msk $0xffff, v8;
	v7 =	vld.idx.msk [tilespmem:v1+s20+$0x20 ss:$0x1], $0xffff  }
.LBB1_3:
0x49: {  	p1 =	sne.s32 s21, $0xFE00;
	v8 =	vld.idx.msk [tilespmem:v1+s19+$0x30 ss:$0x1], $0xffff;
	[tilespmem:v0+s20+$0xFFFFFFA0 ss:$0x1] =	vst.idx.msk $0xffff, v6  }
0x4a: {  	v9 =	vld.idx.msk [tilespmem:v1+s19+$0xFFFFFFC0 ss:$0x1], $0xffff;
	[tilespmem:v0+s20+$0xFFFFFFB0 ss:$0x1] =	vst.idx.msk $0xffff, v4  }
0x4b: {  	v6 =	vld.idx.msk [tilespmem:v1+s19+$0xFFFFFFD0 ss:$0x1], $0xffff;
	[tilespmem:v0+s20+$0xFFFFFFC0 ss:$0x1] =	vst.idx.msk $0xffff, v2  }
.Ltmp3:
0x4c: {  	v4 =	vld.idx.msk [tilespmem:v1+s19+$0xFFFFFFE0 ss:$0x1], $0xffff;
	[tilespmem:v0+s20+$0xFFFFFFD0 ss:$0x1] =	vst.idx.msk $0xffff, v3;
	(pc) =	sbr.rel @p1 .LBB1_3-.Ltmp3, $4  }
0x4d: {  	v2 =	vld.idx.msk [tilespmem:v1+s19+$0xFFFFFFF0 ss:$0x1], $0xffff;
	[tilespmem:v0+s20+$0xFFFFFFE0 ss:$0x1] =	vst.idx.msk $0xffff, v5  }
0x4e: {  	v3 =	vld.idx.msk [tilespmem:v1+s19+$0x0 ss:$0x1], $0xffff;
	[tilespmem:v0+s20+$0xFFFFFFF0 ss:$0x1] =	vst.idx.msk $0xffff, v7;
	s20 =	smov.u32 s19  }
0x4f: {  	v5 =	vld.idx.msk [tilespmem:v1+s20+$0x10 ss:$0x1], $0xffff;
	[tilespmem:v0+s20+$0x0 ss:$0x1] =	vst.idx.msk $0xffff, v8  }
0x50: {  	s19 =	sshra.s32 s21, $0x2;
	s21 =	sadd.s32 $0x200, s21;
	[tilespmem:v0+s20+$0xFFFFFF90 ss:$0x1] =	vst.idx.msk $0xffff, v9;
	v7 =	vld.idx.msk [tilespmem:v1+s20+$0x20 ss:$0x1], $0xffff  }
.Ltmp4:
0x51: {  	_ = 	snop;
	(pc) =	sbr.rel .LBB1_4-.Ltmp4, $1  }
0x52: {  	_ =	sdelay $0x3  }
.LBB1_6:
0x53: {  	_ =	sfence.sel $0x180000  }
0x54: {  	s2 =	simm.s32 $0x1;
	[bflag:$0x0] =	sbarrier.arrive $0xFFFF  }
0x55: {  	s31 =	simm.s32 $0x2;
	[sflag:s2] =	ssyncpa.u1 $0x1  }
0x56: {  	[sflag:s31] =	ssyncpa.u1 $0x1  }
0x57: {  	p0 =	sne.s32 s1, $0x0;
	_ =	strace $0x90000047  }
0x58: {  	s0 =	sadd.s32 @!p0 $0x100000, s0;
	[bflag:$0x2] =	sbarrier.arrive $0xFFFF  }
0x59: {  	[sflag:s0] =	ssyncadd.tile.s32 @!p0 $0x1;
	_ =	shalt  }
.Lfunc_end1:
_tile_overlayer_lowered:
.L_overlay_start_2:
0x5a: {  	(tag) =	ssettag $0x2  }
0x5b: {  	s0 =	rddreg [dreg:$0x0];
	s2 =	stileid.u32  }
0x5c: {  	s1 =	rddreg [dreg:$0x1];
	p0 =	sne.s32 s2, $0x0  }
0x5d: {  	s3 =	rddreg [dreg:$0x2];
	[bflag:$0x3] =	sbarrier.arrive $0xFFFF;
	s2 =	simm.s32 @!p0 $0x1C01  }
0x5e: {  	[timem:s3], [sflag:s2] =	dma.local @!p0 [hbm:s0], s1  }
0x5f: {  	s0 =	simm.s32 @!p0 $0x1  }
0x60: {  	_ =	swait.ge @!p0 [sflag:s0], s1  }
0x61: {  	s1 =	ssub.s32 @!p0 $0x0, s1;
	[sflag:s0] =	ssyncset.done @!p0 $0x0  }
0x62: {  	[sflag:s0] =	ssyncadd.s32 @!p0 s1  }
0x63: {  	[bflag:$0x3] =	sbarrier.arrive $0xFFFF  }
0x64: {  	_ =	shalt  }

// kernel: sparse-core-data-format-call.cloned.1.call-start
scs
called_computation_lowered:
.L_overlay_start_0:
0x0: {  	s2 =	sld [smem:$0x3FD9]  }
0x1: {  	s3 =	sld [smem:$0x3FFE];
	_ =	sdelay $0x1  }
0x2: {  	s1 =	srdreg.scid  }
0x3: {  	s0 =	sand.u32 $0x1, s1  }
0x4: {  	s18 =	sshll.u32 s0, $0xA;
	s2 =	sadd.s32 s3, s2  }
0x5: {  	s2 =	sadd.s32 s2, s18  }
0x6: {  	[smem:$0x3FC5] =	sst s2  }
0x7: {  	_ = 	snop  }
0x8: {  	s2 =	sld [smem:$0x3FD0];
	(tm) =	ssettm $0x1  }
0x9: {  	s19 =	sld [smem:$0x3FFB];
	_ =	sdelay $0x3  }
0xa: {  	_ =	strace s19  }
0xb: {  	s3 =	sld [smem:$0x3FFC];
	_ =	sdelay $0x3  }
0xc: {  	_ =	strace s3  }
0xd: {  	s3 =	sld [smem:$0x3FFD];
	_ =	sdelay $0x3  }
0xe: {  	_ =	strace s3  }
0xf: {  	_ =	strace $0x8FFFFFFF  }
0x10: {  	s20 =	sld [smem:$0x3FDB];
	_ =	sdelay $0x1  }
0x11: {  	s4 =	simm.s32 $_scs_section_size  }
0x12: {  	s5 =	simm.s32 $_size__tile_overlayer_lowered;
	s6 =	simm.s32 $_tile_overlayer_lowered  }
0x13: {  	s23 =	simm.s32 $0x1BFF;
	s22 =	sshll.u32 s6, $0x1;
	s3 =	sadd.s32 s4, s20  }
0x14: {  	s7 =	simm.s32 $0x0;
	s21 =	sshll.u32 s5, $0x1;
	s5 =	sadd.s32 s22, s3  }
0x15: {  	[timem:s7], [sflag:s23] =	dma.local [hbm:s5], s21  }
0x16: {  	_ =	swait.ge [sflag:s23], s21  }
0x17: {  	s4 =	ssub.s32 $0x0, s21;
	[sflag:s23] =	ssyncset.done $0x0  }
0x18: {  	[sflag:s23] =	ssyncadd.s32 s4;
	_ =	sdelay $0x1  }
0x19: {  	s24 =	simm.s32 $0x1B8B  }
0x1a: {  	_ =	swait.ge [sflag:s24], $0x1  }
0x1b: {  	[sflag:s24] =	ssyncset.done $0x0  }
0x1c: {  	s26 =	simm.s32 $0x1B8E;
	s25 =	sld [smem:$0x3FFE];
	[sflag:s24] =	ssyncadd.s32 $0xFFFFFFFF  }
0x1d: {  	s27 =	simm.s32 $execute0_lowered;
	[smem:$0x3FD2] =	sst s26  }
0x1e: {  	s5 =	sshll.u32 s27, $0x1;
	_ =	strace $0x8000004F;
	[dreg:$0x1] =	wrdreg $0xFFFFFFFF  }
0x1f: {  	s28 =	simm.s32 $_size_execute0_lowered;
	s3 =	sadd.s32 s3, s5;
	[dreg:$0x0] =	wrdreg $0x0  }
0x20: {  	s5 =	sshll.u32 s28, $0x1;
	[dreg:$0x2] =	wrdreg s3  }
0x21: {  	[dreg:$0x3] =	wrdreg s5  }
0x22: {  	[dreg:$0x4] =	wrdreg $0xC0  }
0x23: {  	_ =	task [dreg:s7], $0x5FFFF  }
0x24: {  	[dreg:$0x1] =	wrdreg $0xFFFFFFFF  }
0x25: {  	[dreg:$0x0] =	wrdreg $0x60  }
0x26: {  	[dreg:$0x2] =	wrdreg s25  }
0x27: {  	[dreg:$0x3] =	wrdreg s2  }
0x28: {  	[dreg:$0x4] =	wrdreg $0x9  }
0x29: {  	_ =	task.clear_ibuf [dreg:s7], $0x5FFFF;
	_ =	strace $0x9000004F  }
0x2a: {  	s29 =	simm.s32 $0x9;
	_ =	strace $0x80000051  }
0x2b: {  	_ =	swait.ge [sflag:s29], $0x1  }
0x2c: {  	[sflag:s29] =	ssyncadd.s32 $0xFFFFFFFF  }
0x2d: {  	_ =	strace $0x90000051  }
0x2e: {  	_ =	sfence  }
0x2f: {  	s30 =	sld [smem:$0x0];
	_ =	sdelay $0x2  }
0x30: {  	s31 =	sshll.u32 s1, $0xD;
	s1 =	sshrl.u32 s1, $0x2  }
0x31: {  	s3 =	sand.u32 $0x4000, s31;
	s1 =	sadd.s32 s1, s30  }
0x32: {  	s0 =	sor.u32 s3, s0;
	s1 =	sshll.u32 s1, $0x11  }
0x33: {  	s0 =	sor.u32 s1, s0  }
0x34: {  	s0 =	sadd.s32 $0x8F2B, s0  }
0x35: {  	[sflag:s0] =	ssyncadd.remote.s32 $0x1  }
0x36: {  	_ =	sfence.sel $0xFFFF  }
0x37: {  	[dreg:$0x0] =	wrdreg $0xFFFFFFFF;
	(pc) =	sbr.abs _section_cstart, $3  }
0x38: {  	[dreg:$0x1] =	wrdreg $0xFFFFFFFF  }
0x39: {  	_ =	task.clear_ibuf [dreg:s7], $0x2FFFF;
	_ =	strace $0x9FFFFFFF  }
0x3a: {  	(tm) =	ssettm $0x7FFFFFFF  }
0x3b: {  	_ =	shalt  }
tec
execute0_lowered:
.L_overlay_start_1:
0x0: {  	(tag) =	ssettag $0x1  }
0x1: {  	s0 =	rddreg [dreg:$0x0];
	s2 =	srdreg.scid  }
0x2: {  	s1 =	rddreg [dreg:$0x1];
	_ =	strace $0x80000050;
	s4 =	simm.s32 $0x1  }
0x3: {  	s6 =	simm.s32 $0x2;
	s15 =	simm.s32 $0x0;
	s8 =	simm.s32 $0x40000  }
0x4: {  	s9 =	simm.s32 $0x0;
	s16 =	simm.s32 $0x0;
	s18 =	simm.s32 $0x0  }
0x5: {  	s17 =	simm.s32 $0x0;
	s10 =	simm.s32 $0x0;
	s2 =	sshll.u32 s2, $0x3  }
0x6: {  	s11 =	simm.s32 $0x0;
	s13 =	stileid.u32;
	s2 =	sand.u32 $0x8, s2  }
.Ltmp0:
0x7: {  	s14 =	simm.s32 $0x0;
	s3 =	ssub.s32 $0x200, s2;
	(pc) =	sbr.rel .LBB1_1-.Ltmp0, $4  }
0x8: {  	s24 =	simm.s32 $0x0;
	s5 =	sadd.s32 $0x415600, s0;
	s31 =	sshrl.u32 s3, $0x3  }
0x9: {  	[sflag:s4] =	ssyncpa.u1 $0x0;
	s7 =	sshrl.u32 s3, $0x4;
	s0 =	sand.u32 $0x1, s31  }
0xa: {  	[sflag:s6] =	ssyncpa.u1 $0x0;
	s12 =	smov.u32 s2;
	s0 =	sadd.s32 s7, s0  }
0xb: {  	s3 =	stileid.u32;
	s6 =	sshll.u32 s0, $0x1;
	s7 =	sshllo.u32 s0, $0x1  }
.LBB1_7:
0xc: {  	s0 =	sadd.s32 $0x100, s10  }
0xd: {  	s15 =	sadd.s32 $0x8, s11;
	s19 =	smov.u32 s11;
	p1 =	sgt.s32 s0, $0x1FF  }
0xe: {  	s19 =	smov.u32 @p1 s15  }
0xf: {  	s20 =	smov.u32 s12;
	s15 =	sadd.s32 $0x10, s12;
	p2 =	sgt.s32 s19, $0x7  }
0x10: {  	s20 =	smov.u32 @p2 s15  }
0x11: {  	s21 =	smov.u32 s13;
	s15 =	sadd.s32 $0x10, s13;
	p3 =	sgt.s32 s20, $0x1FF  }
0x12: {  	p0 =	slt.u32 s14, $0x2;
	s21 =	smov.u32 @p3 s15  }
0x13: {  	s16 =	smov.u32 s11;
	s0 =	simm.s32 @p1 $0x0;
	p1 =	sgt.s32 s21, $0xF  }
0x14: {  	s22 =	simm.s32 @!p0 $0x2;
	s21 =	smov.u32 @p1 s3;
	p1 =	sne.s32 s14, s7  }
.Ltmp1:
0x15: {  	s18 =	smov.u32 s12;
	_ =	swait.ge @!p0 [sflag:s22], $0x4000;
	(pc) =	sbr.rel @!p1 .LBB1_8-.Ltmp1, $4  }
0x16: {  	s17 =	smov.u32 s13;
	[sflag:s22] =	ssyncset.done @!p0 $0x0;
	s19 =	simm.s32 @p2 $0x0  }
0x17: {  	s9 =	sadd.s32 $0x4000, s9;
	[sflag:s22] =	ssyncadd.s32 @!p0 $0xFFFFC000;
	s11 =	smov.u32 s19  }
0x18: {  	s20 =	smov.u32 @p3 s2;
	s15 =	smov.u32 s10;
	s10 =	smov.u32 s0  }
0x19: {  	s12 =	smov.u32 s20;
	s14 =	sadd.s32 $0x1, s14;
	s13 =	smov.u32 s21  }
.LBB1_1:
0x1a: {  	p0 =	sge.u32 s14, s6  }
0x1b: {  	s31 =	sadd.s32 $0xFFFFFFFF, s14;
	s0 =	sxor.u32 @!p0 $0xFFFFFFFF, s14;
	s19 =	sshll.u32 @!p0 s10, $0x3  }
0x1c: {  	s20 =	sshll.u32 @!p0 s11, $0x7;
	s21 =	sand.u32 @!p0 $0x78, s10;
	s22 =	sshll.u32 @!p0 s13, $0x12  }
0x1d: {  	s23 =	sshll.u32 @!p0 s12, $0x9;
	s0 =	sshll.u32 @!p0 s0, $0xE;
	s20 =	sand.u32 @!p0 $0x380, s20  }
0x1e: {  	s19 =	sand.u32 @!p0 $0xC00, s19;
	s0 =	sand.u32 @!p0 $0x4000, s0;
	s20 =	sor.u32 @!p0 s21, s20  }
0x1f: {  	s21 =	sand.u32 @!p0 $0x7, s10;
	s19 =	sor.u32 @!p0 s19, s20;
	s20 =	sadd.s32 @!p0 s5, s22  }
0x20: {  	s21 =	sshll.u32 @!p0 s21, $0x12;
	s19 =	sshrl.u32 @!p0 s19, $0x3;
	s20 =	sadd.s32 @!p0 s23, s20  }
0x21: {  	s19 =	sadd.s32 @!p0 s19, s20;
	s20 =	sor.u32 @!p0 $0x800, s21;
	s21 =	simm.s32 @!p0 $0x1000  }
0x22: {  	[tilespmem:s0], [sflag:$0x1] =	stream.strided.gather @!p0 [hbm4b:s19+s20], $0x4000, s21, s20, $0x38;
	[tilespmem:$0x10000] =	vst v63  }
0x23: {  	p0 =	sge.u32 s31, s6  }
.Ltmp2:
0x24: {  	_ = 	snop;
	(pc) =	sbr.rel @p0 .LBB1_7-.Ltmp2, $1  }
0x25: {  	_ =	sdelay $0x3  }
0x26: {  	s0 =	sshll.u32 s9, $0x2;
	_ =	swait.ge [sflag:s4], $0x4000;
	s19 =	sshll.u32 s14, $0xE  }
0x27: {  	p0 =	por $0x0, $0x0;
	s25 =	simm.s32 $0x0;
	s26 =	simm.s32 $0x0  }
0x28: {  	s0 =	sand.u32 $0x10000, s0;
	[sflag:s4] =	ssyncset.done $0x0;
	s22 =	sand.u32 $0x4000, s19  }
0x29: {  	s0 =	sshrl.u32 s0, $0x2;
	[sflag:s4] =	ssyncadd.s32 $0xFFFFC000;
	s19 =	sor.u32 $0x8000, s22  }
0x2a: {  	s20 =	sor.u32 $0x40, s0;
	s21 =	sor.u32 $0x8410, s0;
	s23 =	sadd.s32 $0x8400, s0  }
.LBB1_3:
0x2b: {  	v1 =	vld [tilespmem:s20+$0xFFFFFFD0]  }
0x2c: {  	v2 =	vld [tilespmem:s20+$0x430]  }
0x2d: {  	s0 =	sshll.u32 s26, $0xB;
	v4 =	vld [tilespmem:s20+$0xFFFFFFE0]  }
0x2e: {  	v7 =	vld [tilespmem:s20+$0xFFFFFFF0];
	v0 =	vmov s0  }
0x2f: {  	v8 =	vld [tilespmem:s20+$0x0]  }
0x30: {  	v9 =	vld [tilespmem:s20+$0x10];
	s0 =	sand.u32 $0x300, s24  }
0x31: {  	s27 =	sand.u32 $0x80, s24;
	v10 =	vld [tilespmem:s20+$0x20];
	s0 =	sadd.s32 s0, s22  }
0x32: {  	v11 =	vld [tilespmem:s20+$0x30];
	s0 =	sadd.s32 s27, s0;
	s27 =	simm.s32 $0x1;
	[tilespmem:s21+$0x60] =	vst v2  }
0x33: {  	s27 =	simm.s32 @!p0 $0x0;
	[tilespmem:s21+$0xFFFFFC00] =	vst v1;
	v3 =	vld.idx.msk [tilespmem:v0+s0+$0x400 ss:$0x1], $0xffff;
	s0 =	sshll.u32 s25, $0x2  }
0x34: {  	v6 =	vld [tilespmem:s20+$0x3D0];
	s27 =	sshll.u32 s27, $0x9;
	[tilespmem:s21+$0xFFFFFC10] =	vst v4;
	s0 =	sand.u32 $0xFFFFFC00, s0  }
0x35: {  	v5 =	vld [tilespmem:s20+$0x3E0];
	[tilespmem:s21+$0xFFFFFC20] =	vst v7;
	s0 =	sor.u32 s27, s0  }
0x36: {  	[tilespmem:s21+$0xFFFFFC30] =	vst v8;
	v4 =	vld [tilespmem:s20+$0x400];
	s0 =	sshrl.u32 s0, $0x2  }
0x37: {  	[tilespmem:s21+$0xFFFFFC40] =	vst v9;
	v1 =	vld [tilespmem:s20+$0x410];
	s27 =	sadd.s32 s0, s23  }
0x38: {  	[tilespmem:s27+$0x0] =	vst v3;
	v3 =	vld [tilespmem:s20+$0x3F0]  }
0x39: {  	s31 =	simm.s32 $0x80;
	s30 =	simm.s32 $0x100;
	[tilespmem:s21+$0xFFFFFC50] =	vst v10;
	v2 =	vld [tilespmem:s20+$0x420]  }
0x3a: {  	s28 =	sadd.s32 $0x80, s20;
	s29 =	smov.u32 s21;
	v7 =	vld [tilespmem:s20+$0xFFFFFFC0];
	[tilespmem:s21+$0xFFFFFC60] =	vst v11;
	s0 =	sand.u32 $0x300, s31  }
.LBB1_4:
0x3b: {  	p1 =	sne.s32 s30, $0x380;
	v8 =	vld [tilespmem:s28+$0xFFFFFFD0];
	s31 =	sand.u32 $0x80, s31;
	s0 =	sadd.s32 s0, s22;
	[tilespmem:s29+$0x0] =	vst v6  }
0x3c: {  	s0 =	sadd.s32 s31, s0;
	v6 =	vld [tilespmem:s28+$0x430];
	[tilespmem:s29+$0x10] =	vst v5;
	s31 =	smov.u32 s30  }
0x3d: {  	v5 =	vld.idx.msk [tilespmem:v0+s0+$0x400 ss:$0x1], $0xffff;
	[tilespmem:s29+$0x20] =	vst v3  }
0x3e: {  	v3 =	vld [tilespmem:s28+$0xFFFFFFE0];
	[tilespmem:s29+$0x30] =	vst v4  }
0x3f: {  	v4 =	vld [tilespmem:s28+$0xFFFFFFF0];
	[tilespmem:s29+$0xFFFFFBF0] =	vst v7  }
0x40: {  	v7 =	vld [tilespmem:s28+$0x0];
	[tilespmem:s29+$0x40] =	vst v1  }
0x41: {  	v1 =	vld [tilespmem:s28+$0x10];
	[tilespmem:s29+$0x50] =	vst v2;
	s29 =	sadd.s32 $0x800, s29  }
0x42: {  	s27 =	sadd.s32 $0x800, s27;
	v2 =	vld [tilespmem:s28+$0x20];
	[tilespmem:s29+$0x60] =	vst v6  }
0x43: {  	v9 =	vld [tilespmem:s28+$0x30];
	[tilespmem:s27+$0x0] =	vst v5  }
0x44: {  	[tilespmem:s29+$0xFFFFFC00] =	vst v8;
	v6 =	vld [tilespmem:s28+$0x3D0]  }
0x45: {  	[tilespmem:s29+$0xFFFFFC10] =	vst v3;
	v5 =	vld [tilespmem:s28+$0x3E0]  }
.Ltmp3:
0x46: {  	[tilespmem:s29+$0xFFFFFC20] =	vst v4;
	v3 =	vld [tilespmem:s28+$0x3F0];
	(pc) =	sbr.rel @p1 .LBB1_4-.Ltmp3, $4  }
0x47: {  	[tilespmem:s29+$0xFFFFFC30] =	vst v7;
	v4 =	vld [tilespmem:s28+$0x400]  }
0x48: {  	[tilespmem:s29+$0xFFFFFC40] =	vst v1;
	v1 =	vld [tilespmem:s28+$0x410]  }
0x49: {  	[tilespmem:s29+$0xFFFFFC50] =	vst v2;
	v2 =	vld [tilespmem:s28+$0x420]  }
0x4a: {  	s30 =	sadd.s32 $0x80, s30;
	s0 =	sand.u32 $0x300, s31;
	v7 =	vld [tilespmem:s28+$0xFFFFFFC0];
	[tilespmem:s29+$0xFFFFFC60] =	vst v9;
	s28 =	sadd.s32 $0x80, s28  }
0x4b: {  	[tilespmem:s29+$0x0] =	vst v6  }
0x4c: {  	[tilespmem:s29+$0x10] =	vst v5  }
0x4d: {  	v49 =	vld [tilespmem:s28+$0x430];
	[tilespmem:s29+$0x20] =	vst v3  }
0x4e: {  	v50 =	vld [tilespmem:s28+$0xFFFFFFD0];
	[tilespmem:s29+$0x30] =	vst v4  }
0x4f: {  	v51 =	vld [tilespmem:s28+$0xFFFFFFE0];
	[tilespmem:s29+$0x40] =	vst v1  }
0x50: {  	v52 =	vld [tilespmem:s28+$0xFFFFFFF0];
	[tilespmem:s29+$0x50] =	vst v2  }
0x51: {  	s30 =	sand.u32 $0x80, s31;
	s31 =	sadd.s32 $0x800, s29;
	v53 =	vld [tilespmem:s28+$0x0];
	[tilespmem:s29+$0xFFFFFBF0] =	vst v7  }
0x52: {  	v54 =	vld [tilespmem:s28+$0x10];
	[tilespmem:s31+$0x60] =	vst v49  }
0x53: {  	v55 =	vld [tilespmem:s28+$0x20];
	[tilespmem:s31+$0xFFFFFC00] =	vst v50  }
0x54: {  	v56 =	vld [tilespmem:s28+$0x30];
	[tilespmem:s31+$0xFFFFFC10] =	vst v51  }
0x55: {  	v57 =	vld [tilespmem:s28+$0x3D0];
	[tilespmem:s31+$0xFFFFFC20] =	vst v52  }
0x56: {  	v58 =	vld [tilespmem:s28+$0x3E0];
	[tilespmem:s31+$0xFFFFFC30] =	vst v53  }
0x57: {  	v59 =	vld [tilespmem:s28+$0x3F0];
	[tilespmem:s31+$0xFFFFFC40] =	vst v54  }
0x58: {  	v60 =	vld [tilespmem:s28+$0x400];
	[tilespmem:s31+$0xFFFFFC50] =	vst v55  }
0x59: {  	v61 =	vld [tilespmem:s28+$0xFFFFFFC0];
	[tilespmem:s31+$0xFFFFFC60] =	vst v56  }
0x5a: {  	s0 =	sadd.s32 s0, s22;
	v62 =	vld [tilespmem:s28+$0x410];
	[tilespmem:s31+$0x0] =	vst v57  }
0x5b: {  	v63 =	vld [tilespmem:s28+$0x420];
	s26 =	sadd.s32 $0x1, s26;
	s0 =	sadd.s32 s30, s0;
	[tilespmem:s31+$0x10] =	vst v58  }
0x5c: {  	p1 =	sne.s32 s26, $0x8;
	v0 =	vld.idx.msk [tilespmem:v0+s0+$0x400 ss:$0x1], $0xffff;
	[tilespmem:s31+$0x20] =	vst v59  }
.Ltmp4:
0x5d: {  	[tilespmem:s31+$0x30] =	vst v60;
	(pc) =	sbr.rel @p1 .LBB1_3-.Ltmp4, $4  }
0x5e: {  	[tilespmem:s31+$0xFFFFFBF0] =	vst v61  }
0x5f: {  	[tilespmem:s31+$0x40] =	vst v62  }
0x60: {  	s27 =	sadd.s32 $0x800, s27;
	s20 =	sadd.s32 $0x800, s20;
	[tilespmem:s31+$0x50] =	vst v63  }
0x61: {  	s25 =	sadd.s32 $0x80, s25;
	p0 =	por !p0, !p0;
	s21 =	sadd.s32 $0x80, s21;
	[tilespmem:s27+$0x0] =	vst v0  }
0x62: {  	s0 =	sand.u32 $0x78, s15  }
0x63: {  	s20 =	sshll.u32 s18, $0x9;
	s21 =	sshll.u32 s15, $0x3;
	s27 =	sshll.u32 s18, $0x7  }
0x64: {  	s17 =	sshll.u32 s17, $0x12;
	s16 =	sshll.u32 s16, $0xF;
	s30 =	sand.u32 $0x7, s15  }
0x65: {  	s20 =	sand.u32 $0x3F000, s20;
	s21 =	sand.u32 $0x3FC00, s21;
	s28 =	sand.u32 $0x200, s27  }
0x66: {  	s18 =	sand.u32 $0x180, s27;
	s17 =	sadd.s32 s1, s17;
	s20 =	sadd.s32 s20, s21  }
.Ltmp5:
0x67: {  	s0 =	sor.u32 s18, s0;
	s20 =	sor.u32 s28, s20;
	(pc) =	sbr.rel .LBB1_7-.Ltmp5, $4  }
0x68: {  	s16 =	sadd.s32 s16, s17;
	s0 =	sshrl.u32 s0, $0x3;
	s29 =	sshrl.u32 s20, $0x3  }
0x69: {  	s15 =	sshll.u32 s30, $0x12;
	s0 =	sadd.s32 s0, s16;
	s31 =	sand.u32 $0x7FC0, s29  }
0x6a: {  	s15 =	sor.u32 $0x800, s15;
	s0 =	sadd.s32 s31, s0  }
0x6b: {  	[hbm4b:s0+s15] =	stream.strided.scatter [tilespmem:s19], [sflag:$0x2], $0x4000, s8, s15, $0x38;
	[tilespmem:$0x10000] =	vst v63  }
.LBB1_8:
0x6c: {  	_ =	sfence.sel $0x180000  }
0x6d: {  	s0 =	simm.s32 $0x1;
	[bflag:$0x0] =	sbarrier.arrive $0xFFFF  }
0x6e: {  	s31 =	simm.s32 $0x2;
	[sflag:s0] =	ssyncpa.u1 $0x1  }
0x6f: {  	[sflag:s31] =	ssyncpa.u1 $0x1  }
0x70: {  	_ =	strace $0x90000050  }
0x71: {  	[bflag:$0x2] =	sbarrier.arrive $0xFFFF  }
0x72: {  	p0 =	sne.s32 s3, $0x0;
	s0 =	rddreg [dreg:$0x2]  }
0x73: {  	s0 =	sadd.s32 @!p0 $0x100000, s0  }
0x74: {  	[sflag:s0] =	ssyncadd.tile.s32 @!p0 $0x1;
	_ =	shalt  }
.Lfunc_end1:
_tile_overlayer_lowered:
.L_overlay_start_2:
0x75: {  	(tag) =	ssettag $0x2  }
0x76: {  	s0 =	rddreg [dreg:$0x0];
	s2 =	stileid.u32  }
0x77: {  	s1 =	rddreg [dreg:$0x1];
	p0 =	sne.s32 s2, $0x0  }
0x78: {  	s3 =	rddreg [dreg:$0x2];
	[bflag:$0x3] =	sbarrier.arrive $0xFFFF;
	s2 =	simm.s32 @!p0 $0x1C01  }
0x79: {  	[timem:s3], [sflag:s2] =	dma.local @!p0 [hbm:s0], s1  }
0x7a: {  	s0 =	simm.s32 @!p0 $0x1  }
0x7b: {  	_ =	swait.ge @!p0 [sflag:s0], s1  }
0x7c: {  	s1 =	ssub.s32 @!p0 $0x0, s1;
	[sflag:s0] =	ssyncset.done @!p0 $0x0  }
0x7d: {  	[sflag:s0] =	ssyncadd.s32 @!p0 s1  }
0x7e: {  	[bflag:$0x3] =	sbarrier.arrive $0xFFFF  }
0x7f: {  	_ =	shalt  }

</sc_bundles>
